<compile_context>
chip_gen: v7x
topology: tpu7x:2x2x1
jax: 0.10.2.dev20260603
libtpu: 0.0.44.dev20260713+nightly
codegen_flags: <defaults>
</compile_context>

<pallas_src>
import functools

import jax
import jax.numpy as jnp
from jax import lax
from jax.experimental import pallas as pl
from jax.experimental.pallas import tpu as pltpu
from jax.experimental.pallas import tpu_sc as plsc

N = 10000
E = 320000
D = 128
NC = 2
NS = 16
NW = NC * NS
EPW = E // NW
CH = 80
NCH = EPW // CH
NP = 10000
RPT = NP // NS

_SC_MESH = plsc.VectorSubcoreMesh(core_axis_name="c", subcore_axis_name="s")



@functools.partial(
    pl.kernel,
    out_type=jax.ShapeDtypeStruct((NC, NP, 16), jnp.float32),
    mesh=_SC_MESH,
    scratch_types=[
        pltpu.VMEM((NCH, CH), jnp.int32),
        pltpu.VMEM((CH, 16), jnp.float32),
        pltpu.VMEM_SHARED((NP, 16), jnp.float32),
    ],
    compiler_params=pltpu.CompilerParams(use_tc_tiling_on_sc=False),
)
def _sc_degree(dst_hbm, ones_hbm, zeros_hbm, out_hbm, dst_v, ones_v, accum):
    c = lax.axis_index("c")
    s = lax.axis_index("s")
    w = s * NC + c
    pltpu.sync_copy(dst_hbm.at[w], dst_v)
    pltpu.sync_copy(ones_hbm, ones_v)
    pltpu.sync_copy(zeros_hbm, accum.at[pl.ds(s * RPT, RPT)])
    plsc.subcore_barrier()

    def body(j, carry):
        pltpu.sync_copy(ones_v, accum.at[dst_v.at[j]], add=True)
        return carry

    lax.fori_loop(0, NCH, body, 0)
    plsc.subcore_barrier()
    pltpu.sync_copy(accum.at[pl.ds(s * RPT, RPT)], out_hbm.at[c, pl.ds(s * RPT, RPT)])


@functools.partial(
    pl.kernel,
    out_type=jax.ShapeDtypeStruct((NC, NP, D), jnp.float32),
    mesh=_SC_MESH,
    scratch_types=[
        pltpu.VMEM((NCH, CH), jnp.int32),
        pltpu.VMEM((NCH, CH), jnp.int32),
        pltpu.VMEM((CH, D), jnp.float32),
        pltpu.VMEM((CH, D), jnp.float32),
        pltpu.VMEM((CH, D), jnp.float32),
        pltpu.VMEM_SHARED((NP, D), jnp.float32),
        pltpu.SemaphoreType.DMA,
    ],
    compiler_params=pltpu.CompilerParams(use_tc_tiling_on_sc=False),
)
def _sc_spmm(y_hbm, src_hbm, dst_hbm, zeros_hbm, out_hbm,
             src_v, dst_v, buf0, buf1, buf2, accum, sem):
    c = lax.axis_index("c")
    s = lax.axis_index("s")
    w = s * NC + c
    pltpu.sync_copy(src_hbm.at[w], src_v)
    pltpu.sync_copy(dst_hbm.at[w], dst_v)
    pltpu.sync_copy(zeros_hbm, accum.at[pl.ds(s * RPT, RPT)])
    plsc.subcore_barrier()

    bufs = (buf0, buf1, buf2)
    pltpu.async_copy(y_hbm.at[src_v.at[0]], buf0, sem)
    pltpu.async_copy(y_hbm.at[src_v.at[1]], buf1, sem)

    def body(jj, carry):
        j0 = jj * 3
        for k in range(3):
            j = j0 + k
            pltpu.make_async_copy(y_hbm.at[src_v.at[j]], bufs[k], sem).wait()

            @pl.when(j + 2 < NCH)
            def _():
                pltpu.async_copy(
                    y_hbm.at[src_v.at[j + 2]], bufs[(k + 2) % 3], sem)

            pltpu.sync_copy(bufs[k], accum.at[dst_v.at[j]], add=True)
        return carry

    lax.fori_loop(0, NCH // 3, body, 0)
    pltpu.make_async_copy(y_hbm.at[src_v.at[NCH - 2]], buf0, sem).wait()
    pltpu.sync_copy(buf0, accum.at[dst_v.at[NCH - 2]], add=True)
    pltpu.make_async_copy(y_hbm.at[src_v.at[NCH - 1]], buf1, sem).wait()
    pltpu.sync_copy(buf1, accum.at[dst_v.at[NCH - 1]], add=True)
    plsc.subcore_barrier()
    pltpu.sync_copy(accum.at[pl.ds(s * RPT, RPT)], out_hbm.at[c, pl.ds(s * RPT, RPT)])



def _tc_first_body(degp_ref, x_ref, w_ref, y_ref, dinv_ref):
    indeg = degp_ref[0, :N, 0:1] + degp_ref[1, :N, 0:1]
    dinv = lax.rsqrt(indeg + 1.0)
    xw = jnp.dot(x_ref[...], w_ref[...], preferred_element_type=jnp.float32)
    y_ref[...] = xw * dinv
    dinv_ref[...] = dinv


def _tc_mid_body(part_ref, y_ref, dinv_ref, b_ref, g_ref, be_ref, w_ref, out_ref):
    dinv = dinv_ref[...]
    h = (part_ref[0, :N] + part_ref[1, :N] + y_ref[...]) * dinv + b_ref[...]
    m = jnp.mean(h, axis=0)
    v = jnp.mean((h - m) ** 2, axis=0)
    h = jnp.maximum(g_ref[...] * (h - m) * lax.rsqrt(v + 1e-5) + be_ref[...], 0.0)
    out_ref[...] = jnp.dot(h, w_ref[...], preferred_element_type=jnp.float32) * dinv


def _tc_head_body(part_ref, y_ref, dinv_ref, b_ref, g_ref, be_ref,
                  wh_ref, bh_ref, g3_ref, be3_ref, wo_ref, bo_ref, out_ref):
    dinv = dinv_ref[...]
    h = (part_ref[0, :N] + part_ref[1, :N] + y_ref[...]) * dinv + b_ref[...]
    m = jnp.mean(h, axis=0)
    v = jnp.mean((h - m) ** 2, axis=0)
    h = jnp.maximum(g_ref[...] * (h - m) * lax.rsqrt(v + 1e-5) + be_ref[...], 0.0)
    h3 = jnp.maximum(
        jnp.dot(h, wh_ref[...], preferred_element_type=jnp.float32) + bh_ref[...], 0.0)
    m3 = jnp.mean(h3, axis=0)
    v3 = jnp.mean((h3 - m3) ** 2, axis=0)
    h3 = g3_ref[...] * (h3 - m3) * lax.rsqrt(v3 + 1e-5) + be3_ref[...]
    logits = jnp.dot(h3, wo_ref[...], preferred_element_type=jnp.float32) + bo_ref[...]
    col = lax.broadcasted_iota(jnp.int32, logits.shape, 1)
    masked = jnp.where(col < 10, logits, -1e30)
    mx = jnp.max(masked, axis=1, keepdims=True)
    lse = jnp.log(jnp.sum(jnp.exp(masked - mx), axis=1, keepdims=True)) + mx
    out_ref[...] = masked - lse


def kernel(x, edge_index, batch, W1, b1, g1, be1, W2, b2, g2, be2, Wh, bh, g3, be3, Wo, bo):
    src3 = edge_index[0].reshape(NW, NCH, CH)
    dst3 = edge_index[1].reshape(NW, NCH, CH)
    ones16 = jnp.ones((CH, 16), jnp.float32)
    zeros16 = jnp.zeros((RPT, 16), jnp.float32)
    zerosD = jnp.zeros((RPT, D), jnp.float32)

    degp = _sc_degree(dst3, ones16, zeros16)

    y1, dinv = pl.pallas_call(
        _tc_first_body,
        out_shape=[jax.ShapeDtypeStruct((N, D), jnp.float32),
                   jax.ShapeDtypeStruct((N, 1), jnp.float32)],
    )(degp, x, W1)

    part1 = _sc_spmm(y1, src3, dst3, zerosD)

    y2 = pl.pallas_call(
        _tc_mid_body,
        out_shape=jax.ShapeDtypeStruct((N, D), jnp.float32),
    )(part1, y1, dinv, b1.reshape(1, D), g1.reshape(1, D), be1.reshape(1, D), W2)

    part2 = _sc_spmm(y2, src3, dst3, zerosD)

    out_pad = pl.pallas_call(
        _tc_head_body,
        out_shape=jax.ShapeDtypeStruct((N, D), jnp.float32),
    )(part2, y2, dinv, b2.reshape(1, D), g2.reshape(1, D), be2.reshape(1, D),
      Wh, bh.reshape(1, 64), g3.reshape(1, 64), be3.reshape(1, 64),
      jnp.pad(Wo, ((0, 0), (0, D - 10))), jnp.pad(bo, (0, D - 10)).reshape(1, D))
    return out_pad[:, :10]

# --- scband reference (transcript-rebuilt; emitter-appended) ---
"""Pipeline reference for scband-gcn-65609920414440 (READ-ONLY COPY).

The authoritative reference and input builder live on the scoring server;
editing this copy changes nothing except your own understanding.
"""

import jax, jax.numpy as jnp
import numpy as np

N_NODES = 10000
N_EDGES = 320000
D_IN = 128
H1 = 128
H2 = 128
H_OUT = 64
D_OUT = 10


def setup_inputs(seed: int = 0) -> dict:
    key = jax.random.key(seed)
    ks = jax.random.split(key, 20)
    x = jax.random.normal(ks[0], (N_NODES, D_IN), dtype=jnp.float32)
    edge_index = jax.random.randint(ks[1], (2, N_EDGES), 0, N_NODES, dtype=jnp.int64 if jax.config.jax_enable_x64 else jnp.int32)
    batch = jnp.zeros((N_NODES,), dtype=edge_index.dtype)
    def glorot(k, shape):
        lim = np.sqrt(6.0 / (shape[0] + shape[1]))
        return jax.random.uniform(k, shape, dtype=jnp.float32, minval=-lim, maxval=lim)
    W1 = glorot(ks[2], (D_IN, H1)); b1 = jnp.zeros((H1,), jnp.float32)
    g1 = jnp.ones((H1,), jnp.float32); be1 = jnp.zeros((H1,), jnp.float32)
    W2 = glorot(ks[3], (H1, H2)); b2 = jnp.zeros((H2,), jnp.float32)
    g2 = jnp.ones((H2,), jnp.float32); be2 = jnp.zeros((H2,), jnp.float32)
    Wh = glorot(ks[4], (H2, H_OUT)); bh = jnp.zeros((H_OUT,), jnp.float32)
    g3 = jnp.ones((H_OUT,), jnp.float32); be3 = jnp.zeros((H_OUT,), jnp.float32)
    Wo = glorot(ks[5], (H_OUT, D_OUT)); bo = jnp.zeros((D_OUT,), jnp.float32)
    return {"x": x, "edge_index": edge_index, "batch": batch,
            "W1": W1, "b1": b1, "g1": g1, "be1": be1,
            "W2": W2, "b2": b2, "g2": g2, "be2": be2,
            "Wh": Wh, "bh": bh, "g3": g3, "be3": be3,
            "Wo": Wo, "bo": bo}


def _gcn_conv(x, edge_index, W, b):
    # GCNConv: symmetric normalization with self-loops, aggr='add'
    N = x.shape[0]
    loop = jnp.arange(N, dtype=edge_index.dtype)
    src = jnp.concatenate([edge_index[0], loop])
    dst = jnp.concatenate([edge_index[1], loop])
    deg = jnp.zeros((N,), jnp.float32).at[dst].add(1.0)
    dinv = jax.lax.rsqrt(jnp.maximum(deg, 1.0))
    norm = dinv[src] * dinv[dst]
    xw = x @ W
    msg = xw[src] * norm[:, None]
    out = jax.ops.segment_sum(msg, dst, num_segments=N)
    return out + b


def _bn(x, gamma, beta, eps=1e-5):
    # BatchNorm1d in training mode: batch statistics over nodes
    m = jnp.mean(x, axis=0)
    v = jnp.var(x, axis=0)
    return gamma * (x - m) * jax.lax.rsqrt(v + eps) + beta


def reference(x, edge_index, batch, W1, b1, g1, be1, W2, b2, g2, be2, Wh, bh, g3, be3, Wo, bo):
    h = _gcn_conv(x, edge_index, W1, b1)
    h = jax.nn.relu(_bn(h, g1, be1))
    h = _gcn_conv(h, edge_index, W2, b2)
    h = jax.nn.relu(_bn(h, g2, be2))
    h = jax.nn.relu(h @ Wh + bh)
    h = _bn(h, g3, be3)
    h = h @ Wo + bo
    return jax.nn.log_softmax(h, axis=1)

if __name__ == "__main__":
    import jax
    _d = setup_inputs()
    print(jax.jit(kernel)(*tuple(_d.values())))

</pallas_src>

<mosaic_0001>
#map = affine_map<(d0, d1) -> (0, 0, 0)>
#map1 = affine_map<(d0, d1) -> (0, 0)>
module attributes {stable_mosaic.version = 14 : i64} {
  func.func @_sc_degree(%arg0: i32, %arg1: i32, %arg2: memref<32x125x80xi32, #tpu.memory_space<hbm>>, %arg3: memref<80x16xf32, #tpu.memory_space<hbm>>, %arg4: memref<625x16xf32, #tpu.memory_space<hbm>>, %arg5: memref<2x10000x16xf32, #tpu.memory_space<hbm>>, %arg6: memref<125x80xi32, #tpu.memory_space<vmem>>, %arg7: memref<80x16xf32, #tpu.memory_space<vmem>>, %arg8: memref<10000x16xf32, #tpu.memory_space<vmem_shared>>) attributes {dimension_semantics = [#tpu.dimension_semantics<core_parallel>, #tpu.dimension_semantics<subcore_parallel>], iteration_bounds = array<i64: 2, 16>, scalar_prefetch = 0 : i64, scratch_operands = 3 : i64, tpu.core_type = #tpu.core_type<sc_vector_subcore>, window_params = [{transform_indices = #map}, {transform_indices = #map1}, {transform_indices = #map1}, {transform_indices = #map}]} {
    %mul3A = arith.constant 2 : i32
    %mul3A_0 = arith.muli %arg1, %mul3A : i32
    %add3A = arith.addi %mul3A_0, %arg0 : i32
    "tpu.region"() ({
      %run_scoped3A = tpu.sem_alloc : memref<!tpu.dma_semaphore, #tpu.memory_space<semaphore_mem>>
      %dma_start3A = arith.constant 0 : i32
      %dma_start3A_13 = arith.constant 0 : i32
      %dma_start3A_14 = tpu.memref_slice %arg2[%add3A, %dma_start3A, %dma_start3A_13] : memref<32x125x80xi32, #tpu.memory_space<hbm>> -> memref<1x125x80xi32, #tpu.memory_space<hbm>>
      %dma_start3A_15 = tpu.memref_squeeze %dma_start3A_14 : memref<1x125x80xi32, #tpu.memory_space<hbm>> -> memref<125x80xi32, #tpu.memory_space<hbm>>
      %dma_start3A_16 = arith.constant 0 : i32
      %dma_start3A_17 = arith.constant 0 : i32
      %dma_start3A_18 = tpu.memref_slice %arg2[%add3A, %dma_start3A_16, %dma_start3A_17] : memref<32x125x80xi32, #tpu.memory_space<hbm>> -> memref<1x125x80xi32, #tpu.memory_space<hbm>>
      %dma_start3A_19 = tpu.memref_squeeze %dma_start3A_18 : memref<1x125x80xi32, #tpu.memory_space<hbm>> -> memref<125x80xi32, #tpu.memory_space<hbm>>
      tpu.enqueue_dma source(%dma_start3A_19 : memref<125x80xi32, #tpu.memory_space<hbm>>) target(%arg6 : memref<125x80xi32, #tpu.memory_space<vmem>>) target_semaphore(%run_scoped3A : memref<!tpu.dma_semaphore, #tpu.memory_space<semaphore_mem>>)
      %dma_wait3A = arith.constant 0 : i32
      %dma_wait3A_20 = arith.constant 0 : i32
      %dma_wait3A_21 = tpu.memref_slice %arg2[%add3A, %dma_wait3A, %dma_wait3A_20] : memref<32x125x80xi32, #tpu.memory_space<hbm>> -> memref<1x125x80xi32, #tpu.memory_space<hbm>>
      %dma_wait3A_22 = tpu.memref_squeeze %dma_wait3A_21 : memref<1x125x80xi32, #tpu.memory_space<hbm>> -> memref<125x80xi32, #tpu.memory_space<hbm>>
      %dma_wait3A_23 = arith.constant 0 : i32
      %dma_wait3A_24 = arith.constant 0 : i32
      %dma_wait3A_25 = tpu.memref_slice %arg2[%add3A, %dma_wait3A_23, %dma_wait3A_24] : memref<32x125x80xi32, #tpu.memory_space<hbm>> -> memref<1x125x80xi32, #tpu.memory_space<hbm>>
      %dma_wait3A_26 = tpu.memref_squeeze %dma_wait3A_25 : memref<1x125x80xi32, #tpu.memory_space<hbm>> -> memref<125x80xi32, #tpu.memory_space<hbm>>
      tpu.wait_dma2 semaphore(%run_scoped3A : memref<!tpu.dma_semaphore, #tpu.memory_space<semaphore_mem>>) src(%dma_wait3A_26 : memref<125x80xi32, #tpu.memory_space<hbm>>) dst(%arg6 : memref<125x80xi32, #tpu.memory_space<vmem>>)
      tpu.yield
    }) : () -> ()
    "tpu.region"() ({
      %run_scoped3A = tpu.sem_alloc : memref<!tpu.dma_semaphore, #tpu.memory_space<semaphore_mem>>
      tpu.enqueue_dma source(%arg3 : memref<80x16xf32, #tpu.memory_space<hbm>>) target(%arg7 : memref<80x16xf32, #tpu.memory_space<vmem>>) target_semaphore(%run_scoped3A : memref<!tpu.dma_semaphore, #tpu.memory_space<semaphore_mem>>)
      tpu.wait_dma2 semaphore(%run_scoped3A : memref<!tpu.dma_semaphore, #tpu.memory_space<semaphore_mem>>) src(%arg3 : memref<80x16xf32, #tpu.memory_space<hbm>>) dst(%arg7 : memref<80x16xf32, #tpu.memory_space<vmem>>)
      tpu.yield
    }) : () -> ()
    %mul3A_1 = arith.constant 625 : i32
    %mul3A_2 = arith.muli %arg1, %mul3A_1 : i32
    "tpu.region"() ({
      %run_scoped3A = tpu.sem_alloc : memref<!tpu.dma_semaphore, #tpu.memory_space<semaphore_mem>>
      %dma_start3A = arith.constant 0 : i32
      %dma_start3A_13 = tpu.memref_slice %arg8[%mul3A_2, %dma_start3A] : memref<10000x16xf32, #tpu.memory_space<vmem_shared>> -> memref<625x16xf32, #tpu.memory_space<vmem_shared>>
      tpu.enqueue_dma source(%arg4 : memref<625x16xf32, #tpu.memory_space<hbm>>) target(%dma_start3A_13 : memref<625x16xf32, #tpu.memory_space<vmem_shared>>) target_semaphore(%run_scoped3A : memref<!tpu.dma_semaphore, #tpu.memory_space<semaphore_mem>>)
      %dma_wait3A = arith.constant 0 : i32
      %dma_wait3A_14 = tpu.memref_slice %arg8[%mul3A_2, %dma_wait3A] : memref<10000x16xf32, #tpu.memory_space<vmem_shared>> -> memref<625x16xf32, #tpu.memory_space<vmem_shared>>
      tpu.wait_dma2 semaphore(%run_scoped3A : memref<!tpu.dma_semaphore, #tpu.memory_space<semaphore_mem>>) src(%arg4 : memref<625x16xf32, #tpu.memory_space<hbm>>) dst(%dma_wait3A_14 : memref<625x16xf32, #tpu.memory_space<vmem_shared>>)
      tpu.yield
    }) : () -> ()
    %barrier3A = arith.constant 0 : index
    tpu.barrier barrier_id(%barrier3A)
    %scan3A = arith.constant 0 : i32
    %scan3A_3 = arith.constant 0 : i32
    %scan3A_4 = arith.constant 125 : i32
    %scan3A_5 = arith.addi %scan3A_3, %scan3A_4 : i32
    %scan3A_6 = arith.constant 1 : i32
    scf.for %scan3A_13 = %scan3A_3 to %scan3A_5 step %scan3A_6  : i32 {
      "tpu.region"() ({
        %run_scoped3A = tpu.sem_alloc : memref<!tpu.dma_semaphore, #tpu.memory_space<semaphore_mem>>
        %dma_start3A = arith.constant 0 : i32
        %dma_start3A_14 = tpu.memref_slice %arg6[%scan3A_13, %dma_start3A] : memref<125x80xi32, #tpu.memory_space<vmem>> -> memref<1x80xi32, #tpu.memory_space<vmem>>
        %dma_start3A_15 = tpu.memref_squeeze %dma_start3A_14 : memref<1x80xi32, #tpu.memory_space<vmem>> -> memref<80xi32, #tpu.memory_space<vmem>>
        %dma_start3A_16 = arith.constant 0 : i32
        %dma_start3A_17 = arith.constant 0 : i32
        %dma_start3A_18 = tpu.memref_slice %arg8[%dma_start3A_16, %dma_start3A_17] : memref<10000x16xf32, #tpu.memory_space<vmem_shared>> -> memref<10000x16xf32, #tpu.memory_space<vmem_shared>>
        tpu.enqueue_indirect_dma source(%arg7 : memref<80x16xf32, #tpu.memory_space<vmem>>) target(%dma_start3A_18 : memref<10000x16xf32, #tpu.memory_space<vmem_shared>>) offsets(%dma_start3A_15 : memref<80xi32, #tpu.memory_space<vmem>>) semaphore(%run_scoped3A : memref<!tpu.dma_semaphore, #tpu.memory_space<semaphore_mem>>) {add = true}
        %dma_wait3A = arith.constant 0 : i32
        %dma_wait3A_19 = tpu.memref_slice %arg6[%scan3A_13, %dma_wait3A] : memref<125x80xi32, #tpu.memory_space<vmem>> -> memref<1x80xi32, #tpu.memory_space<vmem>>
        %dma_wait3A_20 = tpu.memref_squeeze %dma_wait3A_19 : memref<1x80xi32, #tpu.memory_space<vmem>> -> memref<80xi32, #tpu.memory_space<vmem>>
        %dma_wait3A_21 = arith.constant 0 : i32
        %dma_wait3A_22 = arith.constant 0 : i32
        %dma_wait3A_23 = tpu.memref_slice %arg8[%dma_wait3A_21, %dma_wait3A_22] : memref<10000x16xf32, #tpu.memory_space<vmem_shared>> -> memref<10000x16xf32, #tpu.memory_space<vmem_shared>>
        tpu.wait_indirect_dma semaphore(%run_scoped3A : memref<!tpu.dma_semaphore, #tpu.memory_space<semaphore_mem>>) src(%arg7 : memref<80x16xf32, #tpu.memory_space<vmem>>) dst(%dma_wait3A_23 : memref<10000x16xf32, #tpu.memory_space<vmem_shared>>)
        tpu.yield
      }) : () -> ()
    }
    %scan3A_7 = arith.constant 125 : i32
    %barrier3A_8 = arith.constant 0 : index
    tpu.barrier barrier_id(%barrier3A_8)
    %mul3A_9 = arith.constant 625 : i32
    %mul3A_10 = arith.muli %arg1, %mul3A_9 : i32
    %mul3A_11 = arith.constant 625 : i32
    %mul3A_12 = arith.muli %arg1, %mul3A_11 : i32
    "tpu.region"() ({
      %run_scoped3A = tpu.sem_alloc : memref<!tpu.dma_semaphore, #tpu.memory_space<semaphore_mem>>
      %dma_start3A = arith.constant 0 : i32
      %dma_start3A_13 = tpu.memref_slice %arg5[%arg0, %mul3A_12, %dma_start3A] : memref<2x10000x16xf32, #tpu.memory_space<hbm>> -> memref<1x625x16xf32, #tpu.memory_space<hbm>>
      %dma_start3A_14 = tpu.memref_squeeze %dma_start3A_13 : memref<1x625x16xf32, #tpu.memory_space<hbm>> -> memref<625x16xf32, #tpu.memory_space<hbm>>
      %dma_start3A_15 = arith.constant 0 : i32
      %dma_start3A_16 = tpu.memref_slice %arg8[%mul3A_10, %dma_start3A_15] : memref<10000x16xf32, #tpu.memory_space<vmem_shared>> -> memref<625x16xf32, #tpu.memory_space<vmem_shared>>
      tpu.enqueue_dma source(%dma_start3A_16 : memref<625x16xf32, #tpu.memory_space<vmem_shared>>) target(%dma_start3A_14 : memref<625x16xf32, #tpu.memory_space<hbm>>) target_semaphore(%run_scoped3A : memref<!tpu.dma_semaphore, #tpu.memory_space<semaphore_mem>>)
      %dma_wait3A = arith.constant 0 : i32
      %dma_wait3A_17 = tpu.memref_slice %arg5[%arg0, %mul3A_12, %dma_wait3A] : memref<2x10000x16xf32, #tpu.memory_space<hbm>> -> memref<1x625x16xf32, #tpu.memory_space<hbm>>
      %dma_wait3A_18 = tpu.memref_squeeze %dma_wait3A_17 : memref<1x625x16xf32, #tpu.memory_space<hbm>> -> memref<625x16xf32, #tpu.memory_space<hbm>>
      %dma_wait3A_19 = arith.constant 0 : i32
      %dma_wait3A_20 = tpu.memref_slice %arg8[%mul3A_10, %dma_wait3A_19] : memref<10000x16xf32, #tpu.memory_space<vmem_shared>> -> memref<625x16xf32, #tpu.memory_space<vmem_shared>>
      tpu.wait_dma2 semaphore(%run_scoped3A : memref<!tpu.dma_semaphore, #tpu.memory_space<semaphore_mem>>) src(%dma_wait3A_20 : memref<625x16xf32, #tpu.memory_space<vmem_shared>>) dst(%dma_wait3A_18 : memref<625x16xf32, #tpu.memory_space<hbm>>)
      tpu.yield
    }) : () -> ()
    return
  }
}

#map = affine_map<(d0, d1) -> (0, 0)>
#map1 = affine_map<(d0, d1) -> (0, 0, 0)>
module attributes {stable_mosaic.version = 14 : i64} {
  func.func @_sc_spmm(%arg0: i32, %arg1: i32, %arg2: memref<10000x128xf32, #tpu.memory_space<hbm>>, %arg3: memref<32x125x80xi32, #tpu.memory_space<hbm>>, %arg4: memref<32x125x80xi32, #tpu.memory_space<hbm>>, %arg5: memref<625x128xf32, #tpu.memory_space<hbm>>, %arg6: memref<2x10000x128xf32, #tpu.memory_space<hbm>>, %arg7: memref<125x80xi32, #tpu.memory_space<vmem>>, %arg8: memref<125x80xi32, #tpu.memory_space<vmem>>, %arg9: memref<80x128xf32, #tpu.memory_space<vmem>>, %arg10: memref<80x128xf32, #tpu.memory_space<vmem>>, %arg11: memref<80x128xf32, #tpu.memory_space<vmem>>, %arg12: memref<10000x128xf32, #tpu.memory_space<vmem_shared>>, %arg13: memref<!tpu.dma_semaphore, #tpu.memory_space<semaphore_mem>>) attributes {dimension_semantics = [#tpu.dimension_semantics<core_parallel>, #tpu.dimension_semantics<subcore_parallel>], iteration_bounds = array<i64: 2, 16>, scalar_prefetch = 0 : i64, scratch_operands = 7 : i64, tpu.core_type = #tpu.core_type<sc_vector_subcore>, window_params = [{transform_indices = #map}, {transform_indices = #map1}, {transform_indices = #map1}, {transform_indices = #map}, {transform_indices = #map1}]} {
    %mul3A = arith.constant 2 : i32
    %mul3A_0 = arith.muli %arg1, %mul3A : i32
    %add3A = arith.addi %mul3A_0, %arg0 : i32
    "tpu.region"() ({
      %run_scoped3A_40 = tpu.sem_alloc : memref<!tpu.dma_semaphore, #tpu.memory_space<semaphore_mem>>
      %dma_start3A_41 = arith.constant 0 : i32
      %dma_start3A_42 = arith.constant 0 : i32
      %dma_start3A_43 = tpu.memref_slice %arg3[%add3A, %dma_start3A_41, %dma_start3A_42] : memref<32x125x80xi32, #tpu.memory_space<hbm>> -> memref<1x125x80xi32, #tpu.memory_space<hbm>>
      %dma_start3A_44 = tpu.memref_squeeze %dma_start3A_43 : memref<1x125x80xi32, #tpu.memory_space<hbm>> -> memref<125x80xi32, #tpu.memory_space<hbm>>
      %dma_start3A_45 = arith.constant 0 : i32
      %dma_start3A_46 = arith.constant 0 : i32
      %dma_start3A_47 = tpu.memref_slice %arg3[%add3A, %dma_start3A_45, %dma_start3A_46] : memref<32x125x80xi32, #tpu.memory_space<hbm>> -> memref<1x125x80xi32, #tpu.memory_space<hbm>>
      %dma_start3A_48 = tpu.memref_squeeze %dma_start3A_47 : memref<1x125x80xi32, #tpu.memory_space<hbm>> -> memref<125x80xi32, #tpu.memory_space<hbm>>
      tpu.enqueue_dma source(%dma_start3A_48 : memref<125x80xi32, #tpu.memory_space<hbm>>) target(%arg7 : memref<125x80xi32, #tpu.memory_space<vmem>>) target_semaphore(%run_scoped3A_40 : memref<!tpu.dma_semaphore, #tpu.memory_space<semaphore_mem>>)
      %dma_wait3A_49 = arith.constant 0 : i32
      %dma_wait3A_50 = arith.constant 0 : i32
      %dma_wait3A_51 = tpu.memref_slice %arg3[%add3A, %dma_wait3A_49, %dma_wait3A_50] : memref<32x125x80xi32, #tpu.memory_space<hbm>> -> memref<1x125x80xi32, #tpu.memory_space<hbm>>
      %dma_wait3A_52 = tpu.memref_squeeze %dma_wait3A_51 : memref<1x125x80xi32, #tpu.memory_space<hbm>> -> memref<125x80xi32, #tpu.memory_space<hbm>>
      %dma_wait3A_53 = arith.constant 0 : i32
      %dma_wait3A_54 = arith.constant 0 : i32
      %dma_wait3A_55 = tpu.memref_slice %arg3[%add3A, %dma_wait3A_53, %dma_wait3A_54] : memref<32x125x80xi32, #tpu.memory_space<hbm>> -> memref<1x125x80xi32, #tpu.memory_space<hbm>>
      %dma_wait3A_56 = tpu.memref_squeeze %dma_wait3A_55 : memref<1x125x80xi32, #tpu.memory_space<hbm>> -> memref<125x80xi32, #tpu.memory_space<hbm>>
      tpu.wait_dma2 semaphore(%run_scoped3A_40 : memref<!tpu.dma_semaphore, #tpu.memory_space<semaphore_mem>>) src(%dma_wait3A_56 : memref<125x80xi32, #tpu.memory_space<hbm>>) dst(%arg7 : memref<125x80xi32, #tpu.memory_space<vmem>>)
      tpu.yield
    }) : () -> ()
    "tpu.region"() ({
      %run_scoped3A_40 = tpu.sem_alloc : memref<!tpu.dma_semaphore, #tpu.memory_space<semaphore_mem>>
      %dma_start3A_41 = arith.constant 0 : i32
      %dma_start3A_42 = arith.constant 0 : i32
      %dma_start3A_43 = tpu.memref_slice %arg4[%add3A, %dma_start3A_41, %dma_start3A_42] : memref<32x125x80xi32, #tpu.memory_space<hbm>> -> memref<1x125x80xi32, #tpu.memory_space<hbm>>
      %dma_start3A_44 = tpu.memref_squeeze %dma_start3A_43 : memref<1x125x80xi32, #tpu.memory_space<hbm>> -> memref<125x80xi32, #tpu.memory_space<hbm>>
      %dma_start3A_45 = arith.constant 0 : i32
      %dma_start3A_46 = arith.constant 0 : i32
      %dma_start3A_47 = tpu.memref_slice %arg4[%add3A, %dma_start3A_45, %dma_start3A_46] : memref<32x125x80xi32, #tpu.memory_space<hbm>> -> memref<1x125x80xi32, #tpu.memory_space<hbm>>
      %dma_start3A_48 = tpu.memref_squeeze %dma_start3A_47 : memref<1x125x80xi32, #tpu.memory_space<hbm>> -> memref<125x80xi32, #tpu.memory_space<hbm>>
      tpu.enqueue_dma source(%dma_start3A_48 : memref<125x80xi32, #tpu.memory_space<hbm>>) target(%arg8 : memref<125x80xi32, #tpu.memory_space<vmem>>) target_semaphore(%run_scoped3A_40 : memref<!tpu.dma_semaphore, #tpu.memory_space<semaphore_mem>>)
      %dma_wait3A_49 = arith.constant 0 : i32
      %dma_wait3A_50 = arith.constant 0 : i32
      %dma_wait3A_51 = tpu.memref_slice %arg4[%add3A, %dma_wait3A_49, %dma_wait3A_50] : memref<32x125x80xi32, #tpu.memory_space<hbm>> -> memref<1x125x80xi32, #tpu.memory_space<hbm>>
      %dma_wait3A_52 = tpu.memref_squeeze %dma_wait3A_51 : memref<1x125x80xi32, #tpu.memory_space<hbm>> -> memref<125x80xi32, #tpu.memory_space<hbm>>
      %dma_wait3A_53 = arith.constant 0 : i32
      %dma_wait3A_54 = arith.constant 0 : i32
      %dma_wait3A_55 = tpu.memref_slice %arg4[%add3A, %dma_wait3A_53, %dma_wait3A_54] : memref<32x125x80xi32, #tpu.memory_space<hbm>> -> memref<1x125x80xi32, #tpu.memory_space<hbm>>
      %dma_wait3A_56 = tpu.memref_squeeze %dma_wait3A_55 : memref<1x125x80xi32, #tpu.memory_space<hbm>> -> memref<125x80xi32, #tpu.memory_space<hbm>>
      tpu.wait_dma2 semaphore(%run_scoped3A_40 : memref<!tpu.dma_semaphore, #tpu.memory_space<semaphore_mem>>) src(%dma_wait3A_56 : memref<125x80xi32, #tpu.memory_space<hbm>>) dst(%arg8 : memref<125x80xi32, #tpu.memory_space<vmem>>)
      tpu.yield
    }) : () -> ()
    %mul3A_1 = arith.constant 625 : i32
    %mul3A_2 = arith.muli %arg1, %mul3A_1 : i32
    "tpu.region"() ({
      %run_scoped3A_40 = tpu.sem_alloc : memref<!tpu.dma_semaphore, #tpu.memory_space<semaphore_mem>>
      %dma_start3A_41 = arith.constant 0 : i32
      %dma_start3A_42 = tpu.memref_slice %arg12[%mul3A_2, %dma_start3A_41] : memref<10000x128xf32, #tpu.memory_space<vmem_shared>> -> memref<625x128xf32, #tpu.memory_space<vmem_shared>>
      tpu.enqueue_dma source(%arg5 : memref<625x128xf32, #tpu.memory_space<hbm>>) target(%dma_start3A_42 : memref<625x128xf32, #tpu.memory_space<vmem_shared>>) target_semaphore(%run_scoped3A_40 : memref<!tpu.dma_semaphore, #tpu.memory_space<semaphore_mem>>)
      %dma_wait3A_43 = arith.constant 0 : i32
      %dma_wait3A_44 = tpu.memref_slice %arg12[%mul3A_2, %dma_wait3A_43] : memref<10000x128xf32, #tpu.memory_space<vmem_shared>> -> memref<625x128xf32, #tpu.memory_space<vmem_shared>>
      tpu.wait_dma2 semaphore(%run_scoped3A_40 : memref<!tpu.dma_semaphore, #tpu.memory_space<semaphore_mem>>) src(%arg5 : memref<625x128xf32, #tpu.memory_space<hbm>>) dst(%dma_wait3A_44 : memref<625x128xf32, #tpu.memory_space<vmem_shared>>)
      tpu.yield
    }) : () -> ()
    %barrier3A = arith.constant 0 : index
    tpu.barrier barrier_id(%barrier3A)
    %dma_start3A = arith.constant 0 : i32
    %dma_start3A_3 = arith.constant 0 : i32
    %dma_start3A_4 = tpu.memref_slice %arg7[%dma_start3A, %dma_start3A_3] : memref<125x80xi32, #tpu.memory_space<vmem>> -> memref<1x80xi32, #tpu.memory_space<vmem>>
    %dma_start3A_5 = tpu.memref_squeeze %dma_start3A_4 : memref<1x80xi32, #tpu.memory_space<vmem>> -> memref<80xi32, #tpu.memory_space<vmem>>
    %dma_start3A_6 = arith.constant 0 : i32
    %dma_start3A_7 = arith.constant 0 : i32
    %dma_start3A_8 = tpu.memref_slice %arg2[%dma_start3A_6, %dma_start3A_7] : memref<10000x128xf32, #tpu.memory_space<hbm>> -> memref<10000x128xf32, #tpu.memory_space<hbm>>
    tpu.enqueue_indirect_dma source(%dma_start3A_8 : memref<10000x128xf32, #tpu.memory_space<hbm>>) target(%arg9 : memref<80x128xf32, #tpu.memory_space<vmem>>) offsets(%dma_start3A_5 : memref<80xi32, #tpu.memory_space<vmem>>) semaphore(%arg13 : memref<!tpu.dma_semaphore, #tpu.memory_space<semaphore_mem>>)
    %dma_start3A_9 = arith.constant 1 : i32
    %dma_start3A_10 = arith.constant 0 : i32
    %dma_start3A_11 = tpu.memref_slice %arg7[%dma_start3A_9, %dma_start3A_10] : memref<125x80xi32, #tpu.memory_space<vmem>> -> memref<1x80xi32, #tpu.memory_space<vmem>>
    %dma_start3A_12 = tpu.memref_squeeze %dma_start3A_11 : memref<1x80xi32, #tpu.memory_space<vmem>> -> memref<80xi32, #tpu.memory_space<vmem>>
    %dma_start3A_13 = arith.constant 0 : i32
    %dma_start3A_14 = arith.constant 0 : i32
    %dma_start3A_15 = tpu.memref_slice %arg2[%dma_start3A_13, %dma_start3A_14] : memref<10000x128xf32, #tpu.memory_space<hbm>> -> memref<10000x128xf32, #tpu.memory_space<hbm>>
    tpu.enqueue_indirect_dma source(%dma_start3A_15 : memref<10000x128xf32, #tpu.memory_space<hbm>>) target(%arg10 : memref<80x128xf32, #tpu.memory_space<vmem>>) offsets(%dma_start3A_12 : memref<80xi32, #tpu.memory_space<vmem>>) semaphore(%arg13 : memref<!tpu.dma_semaphore, #tpu.memory_space<semaphore_mem>>)
    %scan3A = arith.constant 0 : i32
    %scan3A_16 = arith.constant 0 : i32
    %scan3A_17 = arith.constant 41 : i32
    %scan3A_18 = arith.addi %scan3A_16, %scan3A_17 : i32
    %scan3A_19 = arith.constant 1 : i32
    scf.for %scan3A_40 = %scan3A_16 to %scan3A_18 step %scan3A_19  : i32 {
      %mul3A_41 = arith.constant 3 : i32
      %mul3A_42 = arith.muli %scan3A_40, %mul3A_41 : i32
      %add3A_43 = arith.constant 0 : i32
      %add3A_44 = arith.addi %mul3A_42, %add3A_43 : i32
      %dma_wait3A_45 = arith.constant 0 : i32
      %dma_wait3A_46 = tpu.memref_slice %arg7[%add3A_44, %dma_wait3A_45] : memref<125x80xi32, #tpu.memory_space<vmem>> -> memref<1x80xi32, #tpu.memory_space<vmem>>
      %dma_wait3A_47 = tpu.memref_squeeze %dma_wait3A_46 : memref<1x80xi32, #tpu.memory_space<vmem>> -> memref<80xi32, #tpu.memory_space<vmem>>
      %dma_wait3A_48 = arith.constant 0 : i32
      %dma_wait3A_49 = arith.constant 0 : i32
      %dma_wait3A_50 = tpu.memref_slice %arg2[%dma_wait3A_48, %dma_wait3A_49] : memref<10000x128xf32, #tpu.memory_space<hbm>> -> memref<10000x128xf32, #tpu.memory_space<hbm>>
      tpu.wait_indirect_dma semaphore(%arg13 : memref<!tpu.dma_semaphore, #tpu.memory_space<semaphore_mem>>) src(%dma_wait3A_50 : memref<10000x128xf32, #tpu.memory_space<hbm>>) dst(%arg9 : memref<80x128xf32, #tpu.memory_space<vmem>>)
      %add3A_51 = arith.constant 2 : i32
      %add3A_52 = arith.addi %add3A_44, %add3A_51 : i32
      %lt3A = arith.constant 125 : i32
      %lt3A_53 = arith.cmpi slt, %add3A_52, %lt3A : i32
      %convert_element_type3A = arith.extui %lt3A_53 : i1 to i32
      %cond3A = arith.constant 0 : i32
      %cond3A_54 = arith.cmpi ne, %convert_element_type3A, %cond3A : i32
      scf.if %cond3A_54 {
        %add3A_85 = arith.constant 2 : i32
        %add3A_86 = arith.addi %add3A_44, %add3A_85 : i32
        %dma_start3A_87 = arith.constant 0 : i32
        %dma_start3A_88 = tpu.memref_slice %arg7[%add3A_86, %dma_start3A_87] : memref<125x80xi32, #tpu.memory_space<vmem>> -> memref<1x80xi32, #tpu.memory_space<vmem>>
        %dma_start3A_89 = tpu.memref_squeeze %dma_start3A_88 : memref<1x80xi32, #tpu.memory_space<vmem>> -> memref<80xi32, #tpu.memory_space<vmem>>
        %dma_start3A_90 = arith.constant 0 : i32
        %dma_start3A_91 = arith.constant 0 : i32
        %dma_start3A_92 = tpu.memref_slice %arg2[%dma_start3A_90, %dma_start3A_91] : memref<10000x128xf32, #tpu.memory_space<hbm>> -> memref<10000x128xf32, #tpu.memory_space<hbm>>
        tpu.enqueue_indirect_dma source(%dma_start3A_92 : memref<10000x128xf32, #tpu.memory_space<hbm>>) target(%arg11 : memref<80x128xf32, #tpu.memory_space<vmem>>) offsets(%dma_start3A_89 : memref<80xi32, #tpu.memory_space<vmem>>) semaphore(%arg13 : memref<!tpu.dma_semaphore, #tpu.memory_space<semaphore_mem>>)
      } else {
      }
      "tpu.region"() ({
        %run_scoped3A_85 = tpu.sem_alloc : memref<!tpu.dma_semaphore, #tpu.memory_space<semaphore_mem>>
        %dma_start3A_86 = arith.constant 0 : i32
        %dma_start3A_87 = tpu.memref_slice %arg8[%add3A_44, %dma_start3A_86] : memref<125x80xi32, #tpu.memory_space<vmem>> -> memref<1x80xi32, #tpu.memory_space<vmem>>
        %dma_start3A_88 = tpu.memref_squeeze %dma_start3A_87 : memref<1x80xi32, #tpu.memory_space<vmem>> -> memref<80xi32, #tpu.memory_space<vmem>>
        %dma_start3A_89 = arith.constant 0 : i32
        %dma_start3A_90 = arith.constant 0 : i32
        %dma_start3A_91 = tpu.memref_slice %arg12[%dma_start3A_89, %dma_start3A_90] : memref<10000x128xf32, #tpu.memory_space<vmem_shared>> -> memref<10000x128xf32, #tpu.memory_space<vmem_shared>>
        tpu.enqueue_indirect_dma source(%arg9 : memref<80x128xf32, #tpu.memory_space<vmem>>) target(%dma_start3A_91 : memref<10000x128xf32, #tpu.memory_space<vmem_shared>>) offsets(%dma_start3A_88 : memref<80xi32, #tpu.memory_space<vmem>>) semaphore(%run_scoped3A_85 : memref<!tpu.dma_semaphore, #tpu.memory_space<semaphore_mem>>) {add = true}
        %dma_wait3A_92 = arith.constant 0 : i32
        %dma_wait3A_93 = tpu.memref_slice %arg8[%add3A_44, %dma_wait3A_92] : memref<125x80xi32, #tpu.memory_space<vmem>> -> memref<1x80xi32, #tpu.memory_space<vmem>>
        %dma_wait3A_94 = tpu.memref_squeeze %dma_wait3A_93 : memref<1x80xi32, #tpu.memory_space<vmem>> -> memref<80xi32, #tpu.memory_space<vmem>>
        %dma_wait3A_95 = arith.constant 0 : i32
        %dma_wait3A_96 = arith.constant 0 : i32
        %dma_wait3A_97 = tpu.memref_slice %arg12[%dma_wait3A_95, %dma_wait3A_96] : memref<10000x128xf32, #tpu.memory_space<vmem_shared>> -> memref<10000x128xf32, #tpu.memory_space<vmem_shared>>
        tpu.wait_indirect_dma semaphore(%run_scoped3A_85 : memref<!tpu.dma_semaphore, #tpu.memory_space<semaphore_mem>>) src(%arg9 : memref<80x128xf32, #tpu.memory_space<vmem>>) dst(%dma_wait3A_97 : memref<10000x128xf32, #tpu.memory_space<vmem_shared>>)
        tpu.yield
      }) : () -> ()
      %add3A_55 = arith.constant 1 : i32
      %add3A_56 = arith.addi %mul3A_42, %add3A_55 : i32
      %dma_wait3A_57 = arith.constant 0 : i32
      %dma_wait3A_58 = tpu.memref_slice %arg7[%add3A_56, %dma_wait3A_57] : memref<125x80xi32, #tpu.memory_space<vmem>> -> memref<1x80xi32, #tpu.memory_space<vmem>>
      %dma_wait3A_59 = tpu.memref_squeeze %dma_wait3A_58 : memref<1x80xi32, #tpu.memory_space<vmem>> -> memref<80xi32, #tpu.memory_space<vmem>>
      %dma_wait3A_60 = arith.constant 0 : i32
      %dma_wait3A_61 = arith.constant 0 : i32
      %dma_wait3A_62 = tpu.memref_slice %arg2[%dma_wait3A_60, %dma_wait3A_61] : memref<10000x128xf32, #tpu.memory_space<hbm>> -> memref<10000x128xf32, #tpu.memory_space<hbm>>
      tpu.wait_indirect_dma semaphore(%arg13 : memref<!tpu.dma_semaphore, #tpu.memory_space<semaphore_mem>>) src(%dma_wait3A_62 : memref<10000x128xf32, #tpu.memory_space<hbm>>) dst(%arg10 : memref<80x128xf32, #tpu.memory_space<vmem>>)
      %add3A_63 = arith.constant 2 : i32
      %add3A_64 = arith.addi %add3A_56, %add3A_63 : i32
      %lt3A_65 = arith.constant 125 : i32
      %lt3A_66 = arith.cmpi slt, %add3A_64, %lt3A_65 : i32
      %convert_element_type3A_67 = arith.extui %lt3A_66 : i1 to i32
      %cond3A_68 = arith.constant 0 : i32
      %cond3A_69 = arith.cmpi ne, %convert_element_type3A_67, %cond3A_68 : i32
      scf.if %cond3A_69 {
        %add3A_85 = arith.constant 2 : i32
        %add3A_86 = arith.addi %add3A_56, %add3A_85 : i32
        %dma_start3A_87 = arith.constant 0 : i32
        %dma_start3A_88 = tpu.memref_slice %arg7[%add3A_86, %dma_start3A_87] : memref<125x80xi32, #tpu.memory_space<vmem>> -> memref<1x80xi32, #tpu.memory_space<vmem>>
        %dma_start3A_89 = tpu.memref_squeeze %dma_start3A_88 : memref<1x80xi32, #tpu.memory_space<vmem>> -> memref<80xi32, #tpu.memory_space<vmem>>
        %dma_start3A_90 = arith.constant 0 : i32
        %dma_start3A_91 = arith.constant 0 : i32
        %dma_start3A_92 = tpu.memref_slice %arg2[%dma_start3A_90, %dma_start3A_91] : memref<10000x128xf32, #tpu.memory_space<hbm>> -> memref<10000x128xf32, #tpu.memory_space<hbm>>
        tpu.enqueue_indirect_dma source(%dma_start3A_92 : memref<10000x128xf32, #tpu.memory_space<hbm>>) target(%arg9 : memref<80x128xf32, #tpu.memory_space<vmem>>) offsets(%dma_start3A_89 : memref<80xi32, #tpu.memory_space<vmem>>) semaphore(%arg13 : memref<!tpu.dma_semaphore, #tpu.memory_space<semaphore_mem>>)
      } else {
      }
      "tpu.region"() ({
        %run_scoped3A_85 = tpu.sem_alloc : memref<!tpu.dma_semaphore, #tpu.memory_space<semaphore_mem>>
        %dma_start3A_86 = arith.constant 0 : i32
        %dma_start3A_87 = tpu.memref_slice %arg8[%add3A_56, %dma_start3A_86] : memref<125x80xi32, #tpu.memory_space<vmem>> -> memref<1x80xi32, #tpu.memory_space<vmem>>
        %dma_start3A_88 = tpu.memref_squeeze %dma_start3A_87 : memref<1x80xi32, #tpu.memory_space<vmem>> -> memref<80xi32, #tpu.memory_space<vmem>>
        %dma_start3A_89 = arith.constant 0 : i32
        %dma_start3A_90 = arith.constant 0 : i32
        %dma_start3A_91 = tpu.memref_slice %arg12[%dma_start3A_89, %dma_start3A_90] : memref<10000x128xf32, #tpu.memory_space<vmem_shared>> -> memref<10000x128xf32, #tpu.memory_space<vmem_shared>>
        tpu.enqueue_indirect_dma source(%arg10 : memref<80x128xf32, #tpu.memory_space<vmem>>) target(%dma_start3A_91 : memref<10000x128xf32, #tpu.memory_space<vmem_shared>>) offsets(%dma_start3A_88 : memref<80xi32, #tpu.memory_space<vmem>>) semaphore(%run_scoped3A_85 : memref<!tpu.dma_semaphore, #tpu.memory_space<semaphore_mem>>) {add = true}
        %dma_wait3A_92 = arith.constant 0 : i32
        %dma_wait3A_93 = tpu.memref_slice %arg8[%add3A_56, %dma_wait3A_92] : memref<125x80xi32, #tpu.memory_space<vmem>> -> memref<1x80xi32, #tpu.memory_space<vmem>>
        %dma_wait3A_94 = tpu.memref_squeeze %dma_wait3A_93 : memref<1x80xi32, #tpu.memory_space<vmem>> -> memref<80xi32, #tpu.memory_space<vmem>>
        %dma_wait3A_95 = arith.constant 0 : i32
        %dma_wait3A_96 = arith.constant 0 : i32
        %dma_wait3A_97 = tpu.memref_slice %arg12[%dma_wait3A_95, %dma_wait3A_96] : memref<10000x128xf32, #tpu.memory_space<vmem_shared>> -> memref<10000x128xf32, #tpu.memory_space<vmem_shared>>
        tpu.wait_indirect_dma semaphore(%run_scoped3A_85 : memref<!tpu.dma_semaphore, #tpu.memory_space<semaphore_mem>>) src(%arg10 : memref<80x128xf32, #tpu.memory_space<vmem>>) dst(%dma_wait3A_97 : memref<10000x128xf32, #tpu.memory_space<vmem_shared>>)
        tpu.yield
      }) : () -> ()
      %add3A_70 = arith.constant 2 : i32
      %add3A_71 = arith.addi %mul3A_42, %add3A_70 : i32
      %dma_wait3A_72 = arith.constant 0 : i32
      %dma_wait3A_73 = tpu.memref_slice %arg7[%add3A_71, %dma_wait3A_72] : memref<125x80xi32, #tpu.memory_space<vmem>> -> memref<1x80xi32, #tpu.memory_space<vmem>>
      %dma_wait3A_74 = tpu.memref_squeeze %dma_wait3A_73 : memref<1x80xi32, #tpu.memory_space<vmem>> -> memref<80xi32, #tpu.memory_space<vmem>>
      %dma_wait3A_75 = arith.constant 0 : i32
      %dma_wait3A_76 = arith.constant 0 : i32
      %dma_wait3A_77 = tpu.memref_slice %arg2[%dma_wait3A_75, %dma_wait3A_76] : memref<10000x128xf32, #tpu.memory_space<hbm>> -> memref<10000x128xf32, #tpu.memory_space<hbm>>
      tpu.wait_indirect_dma semaphore(%arg13 : memref<!tpu.dma_semaphore, #tpu.memory_space<semaphore_mem>>) src(%dma_wait3A_77 : memref<10000x128xf32, #tpu.memory_space<hbm>>) dst(%arg11 : memref<80x128xf32, #tpu.memory_space<vmem>>)
      %add3A_78 = arith.constant 2 : i32
      %add3A_79 = arith.addi %add3A_71, %add3A_78 : i32
      %lt3A_80 = arith.constant 125 : i32
      %lt3A_81 = arith.cmpi slt, %add3A_79, %lt3A_80 : i32
      %convert_element_type3A_82 = arith.extui %lt3A_81 : i1 to i32
      %cond3A_83 = arith.constant 0 : i32
      %cond3A_84 = arith.cmpi ne, %convert_element_type3A_82, %cond3A_83 : i32
      scf.if %cond3A_84 {
        %add3A_85 = arith.constant 2 : i32
        %add3A_86 = arith.addi %add3A_71, %add3A_85 : i32
        %dma_start3A_87 = arith.constant 0 : i32
        %dma_start3A_88 = tpu.memref_slice %arg7[%add3A_86, %dma_start3A_87] : memref<125x80xi32, #tpu.memory_space<vmem>> -> memref<1x80xi32, #tpu.memory_space<vmem>>
        %dma_start3A_89 = tpu.memref_squeeze %dma_start3A_88 : memref<1x80xi32, #tpu.memory_space<vmem>> -> memref<80xi32, #tpu.memory_space<vmem>>
        %dma_start3A_90 = arith.constant 0 : i32
        %dma_start3A_91 = arith.constant 0 : i32
        %dma_start3A_92 = tpu.memref_slice %arg2[%dma_start3A_90, %dma_start3A_91] : memref<10000x128xf32, #tpu.memory_space<hbm>> -> memref<10000x128xf32, #tpu.memory_space<hbm>>
        tpu.enqueue_indirect_dma source(%dma_start3A_92 : memref<10000x128xf32, #tpu.memory_space<hbm>>) target(%arg10 : memref<80x128xf32, #tpu.memory_space<vmem>>) offsets(%dma_start3A_89 : memref<80xi32, #tpu.memory_space<vmem>>) semaphore(%arg13 : memref<!tpu.dma_semaphore, #tpu.memory_space<semaphore_mem>>)
      } else {
      }
      "tpu.region"() ({
        %run_scoped3A_85 = tpu.sem_alloc : memref<!tpu.dma_semaphore, #tpu.memory_space<semaphore_mem>>
        %dma_start3A_86 = arith.constant 0 : i32
        %dma_start3A_87 = tpu.memref_slice %arg8[%add3A_71, %dma_start3A_86] : memref<125x80xi32, #tpu.memory_space<vmem>> -> memref<1x80xi32, #tpu.memory_space<vmem>>
        %dma_start3A_88 = tpu.memref_squeeze %dma_start3A_87 : memref<1x80xi32, #tpu.memory_space<vmem>> -> memref<80xi32, #tpu.memory_space<vmem>>
        %dma_start3A_89 = arith.constant 0 : i32
        %dma_start3A_90 = arith.constant 0 : i32
        %dma_start3A_91 = tpu.memref_slice %arg12[%dma_start3A_89, %dma_start3A_90] : memref<10000x128xf32, #tpu.memory_space<vmem_shared>> -> memref<10000x128xf32, #tpu.memory_space<vmem_shared>>
        tpu.enqueue_indirect_dma source(%arg11 : memref<80x128xf32, #tpu.memory_space<vmem>>) target(%dma_start3A_91 : memref<10000x128xf32, #tpu.memory_space<vmem_shared>>) offsets(%dma_start3A_88 : memref<80xi32, #tpu.memory_space<vmem>>) semaphore(%run_scoped3A_85 : memref<!tpu.dma_semaphore, #tpu.memory_space<semaphore_mem>>) {add = true}
        %dma_wait3A_92 = arith.constant 0 : i32
        %dma_wait3A_93 = tpu.memref_slice %arg8[%add3A_71, %dma_wait3A_92] : memref<125x80xi32, #tpu.memory_space<vmem>> -> memref<1x80xi32, #tpu.memory_space<vmem>>
        %dma_wait3A_94 = tpu.memref_squeeze %dma_wait3A_93 : memref<1x80xi32, #tpu.memory_space<vmem>> -> memref<80xi32, #tpu.memory_space<vmem>>
        %dma_wait3A_95 = arith.constant 0 : i32
        %dma_wait3A_96 = arith.constant 0 : i32
        %dma_wait3A_97 = tpu.memref_slice %arg12[%dma_wait3A_95, %dma_wait3A_96] : memref<10000x128xf32, #tpu.memory_space<vmem_shared>> -> memref<10000x128xf32, #tpu.memory_space<vmem_shared>>
        tpu.wait_indirect_dma semaphore(%run_scoped3A_85 : memref<!tpu.dma_semaphore, #tpu.memory_space<semaphore_mem>>) src(%arg11 : memref<80x128xf32, #tpu.memory_space<vmem>>) dst(%dma_wait3A_97 : memref<10000x128xf32, #tpu.memory_space<vmem_shared>>)
        tpu.yield
      }) : () -> ()
    }
    %scan3A_20 = arith.constant 41 : i32
    %dma_wait3A = arith.constant 123 : i32
    %dma_wait3A_21 = arith.constant 0 : i32
    %dma_wait3A_22 = tpu.memref_slice %arg7[%dma_wait3A, %dma_wait3A_21] : memref<125x80xi32, #tpu.memory_space<vmem>> -> memref<1x80xi32, #tpu.memory_space<vmem>>
    %dma_wait3A_23 = tpu.memref_squeeze %dma_wait3A_22 : memref<1x80xi32, #tpu.memory_space<vmem>> -> memref<80xi32, #tpu.memory_space<vmem>>
    %dma_wait3A_24 = arith.constant 0 : i32
    %dma_wait3A_25 = arith.constant 0 : i32
    %dma_wait3A_26 = tpu.memref_slice %arg2[%dma_wait3A_24, %dma_wait3A_25] : memref<10000x128xf32, #tpu.memory_space<hbm>> -> memref<10000x128xf32, #tpu.memory_space<hbm>>
    tpu.wait_indirect_dma semaphore(%arg13 : memref<!tpu.dma_semaphore, #tpu.memory_space<semaphore_mem>>) src(%dma_wait3A_26 : memref<10000x128xf32, #tpu.memory_space<hbm>>) dst(%arg9 : memref<80x128xf32, #tpu.memory_space<vmem>>)
    %run_scoped3A = arith.constant 123 : i32
    "tpu.region"() ({
      %run_scoped3A_40 = tpu.sem_alloc : memref<!tpu.dma_semaphore, #tpu.memory_space<semaphore_mem>>
      %dma_start3A_41 = arith.constant 0 : i32
      %dma_start3A_42 = tpu.memref_slice %arg8[%run_scoped3A, %dma_start3A_41] : memref<125x80xi32, #tpu.memory_space<vmem>> -> memref<1x80xi32, #tpu.memory_space<vmem>>
      %dma_start3A_43 = tpu.memref_squeeze %dma_start3A_42 : memref<1x80xi32, #tpu.memory_space<vmem>> -> memref<80xi32, #tpu.memory_space<vmem>>
      %dma_start3A_44 = arith.constant 0 : i32
      %dma_start3A_45 = arith.constant 0 : i32
      %dma_start3A_46 = tpu.memref_slice %arg12[%dma_start3A_44, %dma_start3A_45] : memref<10000x128xf32, #tpu.memory_space<vmem_shared>> -> memref<10000x128xf32, #tpu.memory_space<vmem_shared>>
      tpu.enqueue_indirect_dma source(%arg9 : memref<80x128xf32, #tpu.memory_space<vmem>>) target(%dma_start3A_46 : memref<10000x128xf32, #tpu.memory_space<vmem_shared>>) offsets(%dma_start3A_43 : memref<80xi32, #tpu.memory_space<vmem>>) semaphore(%run_scoped3A_40 : memref<!tpu.dma_semaphore, #tpu.memory_space<semaphore_mem>>) {add = true}
      %dma_wait3A_47 = arith.constant 0 : i32
      %dma_wait3A_48 = tpu.memref_slice %arg8[%run_scoped3A, %dma_wait3A_47] : memref<125x80xi32, #tpu.memory_space<vmem>> -> memref<1x80xi32, #tpu.memory_space<vmem>>
      %dma_wait3A_49 = tpu.memref_squeeze %dma_wait3A_48 : memref<1x80xi32, #tpu.memory_space<vmem>> -> memref<80xi32, #tpu.memory_space<vmem>>
      %dma_wait3A_50 = arith.constant 0 : i32
      %dma_wait3A_51 = arith.constant 0 : i32
      %dma_wait3A_52 = tpu.memref_slice %arg12[%dma_wait3A_50, %dma_wait3A_51] : memref<10000x128xf32, #tpu.memory_space<vmem_shared>> -> memref<10000x128xf32, #tpu.memory_space<vmem_shared>>
      tpu.wait_indirect_dma semaphore(%run_scoped3A_40 : memref<!tpu.dma_semaphore, #tpu.memory_space<semaphore_mem>>) src(%arg9 : memref<80x128xf32, #tpu.memory_space<vmem>>) dst(%dma_wait3A_52 : memref<10000x128xf32, #tpu.memory_space<vmem_shared>>)
      tpu.yield
    }) : () -> ()
    %dma_wait3A_27 = arith.constant 124 : i32
    %dma_wait3A_28 = arith.constant 0 : i32
    %dma_wait3A_29 = tpu.memref_slice %arg7[%dma_wait3A_27, %dma_wait3A_28] : memref<125x80xi32, #tpu.memory_space<vmem>> -> memref<1x80xi32, #tpu.memory_space<vmem>>
    %dma_wait3A_30 = tpu.memref_squeeze %dma_wait3A_29 : memref<1x80xi32, #tpu.memory_space<vmem>> -> memref<80xi32, #tpu.memory_space<vmem>>
    %dma_wait3A_31 = arith.constant 0 : i32
    %dma_wait3A_32 = arith.constant 0 : i32
    %dma_wait3A_33 = tpu.memref_slice %arg2[%dma_wait3A_31, %dma_wait3A_32] : memref<10000x128xf32, #tpu.memory_space<hbm>> -> memref<10000x128xf32, #tpu.memory_space<hbm>>
    tpu.wait_indirect_dma semaphore(%arg13 : memref<!tpu.dma_semaphore, #tpu.memory_space<semaphore_mem>>) src(%dma_wait3A_33 : memref<10000x128xf32, #tpu.memory_space<hbm>>) dst(%arg10 : memref<80x128xf32, #tpu.memory_space<vmem>>)
    %run_scoped3A_34 = arith.constant 124 : i32
    "tpu.region"() ({
      %run_scoped3A_40 = tpu.sem_alloc : memref<!tpu.dma_semaphore, #tpu.memory_space<semaphore_mem>>
      %dma_start3A_41 = arith.constant 0 : i32
      %dma_start3A_42 = tpu.memref_slice %arg8[%run_scoped3A_34, %dma_start3A_41] : memref<125x80xi32, #tpu.memory_space<vmem>> -> memref<1x80xi32, #tpu.memory_space<vmem>>
      %dma_start3A_43 = tpu.memref_squeeze %dma_start3A_42 : memref<1x80xi32, #tpu.memory_space<vmem>> -> memref<80xi32, #tpu.memory_space<vmem>>
      %dma_start3A_44 = arith.constant 0 : i32
      %dma_start3A_45 = arith.constant 0 : i32
      %dma_start3A_46 = tpu.memref_slice %arg12[%dma_start3A_44, %dma_start3A_45] : memref<10000x128xf32, #tpu.memory_space<vmem_shared>> -> memref<10000x128xf32, #tpu.memory_space<vmem_shared>>
      tpu.enqueue_indirect_dma source(%arg10 : memref<80x128xf32, #tpu.memory_space<vmem>>) target(%dma_start3A_46 : memref<10000x128xf32, #tpu.memory_space<vmem_shared>>) offsets(%dma_start3A_43 : memref<80xi32, #tpu.memory_space<vmem>>) semaphore(%run_scoped3A_40 : memref<!tpu.dma_semaphore, #tpu.memory_space<semaphore_mem>>) {add = true}
      %dma_wait3A_47 = arith.constant 0 : i32
      %dma_wait3A_48 = tpu.memref_slice %arg8[%run_scoped3A_34, %dma_wait3A_47] : memref<125x80xi32, #tpu.memory_space<vmem>> -> memref<1x80xi32, #tpu.memory_space<vmem>>
      %dma_wait3A_49 = tpu.memref_squeeze %dma_wait3A_48 : memref<1x80xi32, #tpu.memory_space<vmem>> -> memref<80xi32, #tpu.memory_space<vmem>>
      %dma_wait3A_50 = arith.constant 0 : i32
      %dma_wait3A_51 = arith.constant 0 : i32
      %dma_wait3A_52 = tpu.memref_slice %arg12[%dma_wait3A_50, %dma_wait3A_51] : memref<10000x128xf32, #tpu.memory_space<vmem_shared>> -> memref<10000x128xf32, #tpu.memory_space<vmem_shared>>
      tpu.wait_indirect_dma semaphore(%run_scoped3A_40 : memref<!tpu.dma_semaphore, #tpu.memory_space<semaphore_mem>>) src(%arg10 : memref<80x128xf32, #tpu.memory_space<vmem>>) dst(%dma_wait3A_52 : memref<10000x128xf32, #tpu.memory_space<vmem_shared>>)
      tpu.yield
    }) : () -> ()
    %barrier3A_35 = arith.constant 0 : index
    tpu.barrier barrier_id(%barrier3A_35)
    %mul3A_36 = arith.constant 625 : i32
    %mul3A_37 = arith.muli %arg1, %mul3A_36 : i32
    %mul3A_38 = arith.constant 625 : i32
    %mul3A_39 = arith.muli %arg1, %mul3A_38 : i32
    "tpu.region"() ({
      %run_scoped3A_40 = tpu.sem_alloc : memref<!tpu.dma_semaphore, #tpu.memory_space<semaphore_mem>>
      %dma_start3A_41 = arith.constant 0 : i32
      %dma_start3A_42 = tpu.memref_slice %arg6[%arg0, %mul3A_39, %dma_start3A_41] : memref<2x10000x128xf32, #tpu.memory_space<hbm>> -> memref<1x625x128xf32, #tpu.memory_space<hbm>>
      %dma_start3A_43 = tpu.memref_squeeze %dma_start3A_42 : memref<1x625x128xf32, #tpu.memory_space<hbm>> -> memref<625x128xf32, #tpu.memory_space<hbm>>
      %dma_start3A_44 = arith.constant 0 : i32
      %dma_start3A_45 = tpu.memref_slice %arg12[%mul3A_37, %dma_start3A_44] : memref<10000x128xf32, #tpu.memory_space<vmem_shared>> -> memref<625x128xf32, #tpu.memory_space<vmem_shared>>
      tpu.enqueue_dma source(%dma_start3A_45 : memref<625x128xf32, #tpu.memory_space<vmem_shared>>) target(%dma_start3A_43 : memref<625x128xf32, #tpu.memory_space<hbm>>) target_semaphore(%run_scoped3A_40 : memref<!tpu.dma_semaphore, #tpu.memory_space<semaphore_mem>>)
      %dma_wait3A_46 = arith.constant 0 : i32
      %dma_wait3A_47 = tpu.memref_slice %arg6[%arg0, %mul3A_39, %dma_wait3A_46] : memref<2x10000x128xf32, #tpu.memory_space<hbm>> -> memref<1x625x128xf32, #tpu.memory_space<hbm>>
      %dma_wait3A_48 = tpu.memref_squeeze %dma_wait3A_47 : memref<1x625x128xf32, #tpu.memory_space<hbm>> -> memref<625x128xf32, #tpu.memory_space<hbm>>
      %dma_wait3A_49 = arith.constant 0 : i32
      %dma_wait3A_50 = tpu.memref_slice %arg12[%mul3A_37, %dma_wait3A_49] : memref<10000x128xf32, #tpu.memory_space<vmem_shared>> -> memref<625x128xf32, #tpu.memory_space<vmem_shared>>
      tpu.wait_dma2 semaphore(%run_scoped3A_40 : memref<!tpu.dma_semaphore, #tpu.memory_space<semaphore_mem>>) src(%dma_wait3A_50 : memref<625x128xf32, #tpu.memory_space<vmem_shared>>) dst(%dma_wait3A_48 : memref<625x128xf32, #tpu.memory_space<hbm>>)
      tpu.yield
    }) : () -> ()
    return
  }
}

#map = affine_map<(d0, d1) -> (0, 0)>
#map1 = affine_map<(d0, d1) -> (0, 0, 0)>
module attributes {stable_mosaic.version = 14 : i64} {
  func.func @_sc_spmm(%arg0: i32, %arg1: i32, %arg2: memref<10000x128xf32, #tpu.memory_space<hbm>>, %arg3: memref<32x125x80xi32, #tpu.memory_space<hbm>>, %arg4: memref<32x125x80xi32, #tpu.memory_space<hbm>>, %arg5: memref<625x128xf32, #tpu.memory_space<hbm>>, %arg6: memref<2x10000x128xf32, #tpu.memory_space<hbm>>, %arg7: memref<125x80xi32, #tpu.memory_space<vmem>>, %arg8: memref<125x80xi32, #tpu.memory_space<vmem>>, %arg9: memref<80x128xf32, #tpu.memory_space<vmem>>, %arg10: memref<80x128xf32, #tpu.memory_space<vmem>>, %arg11: memref<80x128xf32, #tpu.memory_space<vmem>>, %arg12: memref<10000x128xf32, #tpu.memory_space<vmem_shared>>, %arg13: memref<!tpu.dma_semaphore, #tpu.memory_space<semaphore_mem>>) attributes {dimension_semantics = [#tpu.dimension_semantics<core_parallel>, #tpu.dimension_semantics<subcore_parallel>], iteration_bounds = array<i64: 2, 16>, scalar_prefetch = 0 : i64, scratch_operands = 7 : i64, tpu.core_type = #tpu.core_type<sc_vector_subcore>, window_params = [{transform_indices = #map}, {transform_indices = #map1}, {transform_indices = #map1}, {transform_indices = #map}, {transform_indices = #map1}]} {
    %mul3A = arith.constant 2 : i32
    %mul3A_0 = arith.muli %arg1, %mul3A : i32
    %add3A = arith.addi %mul3A_0, %arg0 : i32
    "tpu.region"() ({
      %run_scoped3A_40 = tpu.sem_alloc : memref<!tpu.dma_semaphore, #tpu.memory_space<semaphore_mem>>
      %dma_start3A_41 = arith.constant 0 : i32
      %dma_start3A_42 = arith.constant 0 : i32
      %dma_start3A_43 = tpu.memref_slice %arg3[%add3A, %dma_start3A_41, %dma_start3A_42] : memref<32x125x80xi32, #tpu.memory_space<hbm>> -> memref<1x125x80xi32, #tpu.memory_space<hbm>>
      %dma_start3A_44 = tpu.memref_squeeze %dma_start3A_43 : memref<1x125x80xi32, #tpu.memory_space<hbm>> -> memref<125x80xi32, #tpu.memory_space<hbm>>
      %dma_start3A_45 = arith.constant 0 : i32
      %dma_start3A_46 = arith.constant 0 : i32
      %dma_start3A_47 = tpu.memref_slice %arg3[%add3A, %dma_start3A_45, %dma_start3A_46] : memref<32x125x80xi32, #tpu.memory_space<hbm>> -> memref<1x125x80xi32, #tpu.memory_space<hbm>>
      %dma_start3A_48 = tpu.memref_squeeze %dma_start3A_47 : memref<1x125x80xi32, #tpu.memory_space<hbm>> -> memref<125x80xi32, #tpu.memory_space<hbm>>
      tpu.enqueue_dma source(%dma_start3A_48 : memref<125x80xi32, #tpu.memory_space<hbm>>) target(%arg7 : memref<125x80xi32, #tpu.memory_space<vmem>>) target_semaphore(%run_scoped3A_40 : memref<!tpu.dma_semaphore, #tpu.memory_space<semaphore_mem>>)
      %dma_wait3A_49 = arith.constant 0 : i32
      %dma_wait3A_50 = arith.constant 0 : i32
      %dma_wait3A_51 = tpu.memref_slice %arg3[%add3A, %dma_wait3A_49, %dma_wait3A_50] : memref<32x125x80xi32, #tpu.memory_space<hbm>> -> memref<1x125x80xi32, #tpu.memory_space<hbm>>
      %dma_wait3A_52 = tpu.memref_squeeze %dma_wait3A_51 : memref<1x125x80xi32, #tpu.memory_space<hbm>> -> memref<125x80xi32, #tpu.memory_space<hbm>>
      %dma_wait3A_53 = arith.constant 0 : i32
      %dma_wait3A_54 = arith.constant 0 : i32
      %dma_wait3A_55 = tpu.memref_slice %arg3[%add3A, %dma_wait3A_53, %dma_wait3A_54] : memref<32x125x80xi32, #tpu.memory_space<hbm>> -> memref<1x125x80xi32, #tpu.memory_space<hbm>>
      %dma_wait3A_56 = tpu.memref_squeeze %dma_wait3A_55 : memref<1x125x80xi32, #tpu.memory_space<hbm>> -> memref<125x80xi32, #tpu.memory_space<hbm>>
      tpu.wait_dma2 semaphore(%run_scoped3A_40 : memref<!tpu.dma_semaphore, #tpu.memory_space<semaphore_mem>>) src(%dma_wait3A_56 : memref<125x80xi32, #tpu.memory_space<hbm>>) dst(%arg7 : memref<125x80xi32, #tpu.memory_space<vmem>>)
      tpu.yield
    }) : () -> ()
    "tpu.region"() ({
      %run_scoped3A_40 = tpu.sem_alloc : memref<!tpu.dma_semaphore, #tpu.memory_space<semaphore_mem>>
      %dma_start3A_41 = arith.constant 0 : i32
      %dma_start3A_42 = arith.constant 0 : i32
      %dma_start3A_43 = tpu.memref_slice %arg4[%add3A, %dma_start3A_41, %dma_start3A_42] : memref<32x125x80xi32, #tpu.memory_space<hbm>> -> memref<1x125x80xi32, #tpu.memory_space<hbm>>
      %dma_start3A_44 = tpu.memref_squeeze %dma_start3A_43 : memref<1x125x80xi32, #tpu.memory_space<hbm>> -> memref<125x80xi32, #tpu.memory_space<hbm>>
      %dma_start3A_45 = arith.constant 0 : i32
      %dma_start3A_46 = arith.constant 0 : i32
      %dma_start3A_47 = tpu.memref_slice %arg4[%add3A, %dma_start3A_45, %dma_start3A_46] : memref<32x125x80xi32, #tpu.memory_space<hbm>> -> memref<1x125x80xi32, #tpu.memory_space<hbm>>
      %dma_start3A_48 = tpu.memref_squeeze %dma_start3A_47 : memref<1x125x80xi32, #tpu.memory_space<hbm>> -> memref<125x80xi32, #tpu.memory_space<hbm>>
      tpu.enqueue_dma source(%dma_start3A_48 : memref<125x80xi32, #tpu.memory_space<hbm>>) target(%arg8 : memref<125x80xi32, #tpu.memory_space<vmem>>) target_semaphore(%run_scoped3A_40 : memref<!tpu.dma_semaphore, #tpu.memory_space<semaphore_mem>>)
      %dma_wait3A_49 = arith.constant 0 : i32
      %dma_wait3A_50 = arith.constant 0 : i32
      %dma_wait3A_51 = tpu.memref_slice %arg4[%add3A, %dma_wait3A_49, %dma_wait3A_50] : memref<32x125x80xi32, #tpu.memory_space<hbm>> -> memref<1x125x80xi32, #tpu.memory_space<hbm>>
      %dma_wait3A_52 = tpu.memref_squeeze %dma_wait3A_51 : memref<1x125x80xi32, #tpu.memory_space<hbm>> -> memref<125x80xi32, #tpu.memory_space<hbm>>
      %dma_wait3A_53 = arith.constant 0 : i32
      %dma_wait3A_54 = arith.constant 0 : i32
      %dma_wait3A_55 = tpu.memref_slice %arg4[%add3A, %dma_wait3A_53, %dma_wait3A_54] : memref<32x125x80xi32, #tpu.memory_space<hbm>> -> memref<1x125x80xi32, #tpu.memory_space<hbm>>
      %dma_wait3A_56 = tpu.memref_squeeze %dma_wait3A_55 : memref<1x125x80xi32, #tpu.memory_space<hbm>> -> memref<125x80xi32, #tpu.memory_space<hbm>>
      tpu.wait_dma2 semaphore(%run_scoped3A_40 : memref<!tpu.dma_semaphore, #tpu.memory_space<semaphore_mem>>) src(%dma_wait3A_56 : memref<125x80xi32, #tpu.memory_space<hbm>>) dst(%arg8 : memref<125x80xi32, #tpu.memory_space<vmem>>)
      tpu.yield
    }) : () -> ()
    %mul3A_1 = arith.constant 625 : i32
    %mul3A_2 = arith.muli %arg1, %mul3A_1 : i32
    "tpu.region"() ({
      %run_scoped3A_40 = tpu.sem_alloc : memref<!tpu.dma_semaphore, #tpu.memory_space<semaphore_mem>>
      %dma_start3A_41 = arith.constant 0 : i32
      %dma_start3A_42 = tpu.memref_slice %arg12[%mul3A_2, %dma_start3A_41] : memref<10000x128xf32, #tpu.memory_space<vmem_shared>> -> memref<625x128xf32, #tpu.memory_space<vmem_shared>>
      tpu.enqueue_dma source(%arg5 : memref<625x128xf32, #tpu.memory_space<hbm>>) target(%dma_start3A_42 : memref<625x128xf32, #tpu.memory_space<vmem_shared>>) target_semaphore(%run_scoped3A_40 : memref<!tpu.dma_semaphore, #tpu.memory_space<semaphore_mem>>)
      %dma_wait3A_43 = arith.constant 0 : i32
      %dma_wait3A_44 = tpu.memref_slice %arg12[%mul3A_2, %dma_wait3A_43] : memref<10000x128xf32, #tpu.memory_space<vmem_shared>> -> memref<625x128xf32, #tpu.memory_space<vmem_shared>>
      tpu.wait_dma2 semaphore(%run_scoped3A_40 : memref<!tpu.dma_semaphore, #tpu.memory_space<semaphore_mem>>) src(%arg5 : memref<625x128xf32, #tpu.memory_space<hbm>>) dst(%dma_wait3A_44 : memref<625x128xf32, #tpu.memory_space<vmem_shared>>)
      tpu.yield
    }) : () -> ()
    %barrier3A = arith.constant 0 : index
    tpu.barrier barrier_id(%barrier3A)
    %dma_start3A = arith.constant 0 : i32
    %dma_start3A_3 = arith.constant 0 : i32
    %dma_start3A_4 = tpu.memref_slice %arg7[%dma_start3A, %dma_start3A_3] : memref<125x80xi32, #tpu.memory_space<vmem>> -> memref<1x80xi32, #tpu.memory_space<vmem>>
    %dma_start3A_5 = tpu.memref_squeeze %dma_start3A_4 : memref<1x80xi32, #tpu.memory_space<vmem>> -> memref<80xi32, #tpu.memory_space<vmem>>
    %dma_start3A_6 = arith.constant 0 : i32
    %dma_start3A_7 = arith.constant 0 : i32
    %dma_start3A_8 = tpu.memref_slice %arg2[%dma_start3A_6, %dma_start3A_7] : memref<10000x128xf32, #tpu.memory_space<hbm>> -> memref<10000x128xf32, #tpu.memory_space<hbm>>
    tpu.enqueue_indirect_dma source(%dma_start3A_8 : memref<10000x128xf32, #tpu.memory_space<hbm>>) target(%arg9 : memref<80x128xf32, #tpu.memory_space<vmem>>) offsets(%dma_start3A_5 : memref<80xi32, #tpu.memory_space<vmem>>) semaphore(%arg13 : memref<!tpu.dma_semaphore, #tpu.memory_space<semaphore_mem>>)
    %dma_start3A_9 = arith.constant 1 : i32
    %dma_start3A_10 = arith.constant 0 : i32
    %dma_start3A_11 = tpu.memref_slice %arg7[%dma_start3A_9, %dma_start3A_10] : memref<125x80xi32, #tpu.memory_space<vmem>> -> memref<1x80xi32, #tpu.memory_space<vmem>>
    %dma_start3A_12 = tpu.memref_squeeze %dma_start3A_11 : memref<1x80xi32, #tpu.memory_space<vmem>> -> memref<80xi32, #tpu.memory_space<vmem>>
    %dma_start3A_13 = arith.constant 0 : i32
    %dma_start3A_14 = arith.constant 0 : i32
    %dma_start3A_15 = tpu.memref_slice %arg2[%dma_start3A_13, %dma_start3A_14] : memref<10000x128xf32, #tpu.memory_space<hbm>> -> memref<10000x128xf32, #tpu.memory_space<hbm>>
    tpu.enqueue_indirect_dma source(%dma_start3A_15 : memref<10000x128xf32, #tpu.memory_space<hbm>>) target(%arg10 : memref<80x128xf32, #tpu.memory_space<vmem>>) offsets(%dma_start3A_12 : memref<80xi32, #tpu.memory_space<vmem>>) semaphore(%arg13 : memref<!tpu.dma_semaphore, #tpu.memory_space<semaphore_mem>>)
    %scan3A = arith.constant 0 : i32
    %scan3A_16 = arith.constant 0 : i32
    %scan3A_17 = arith.constant 41 : i32
    %scan3A_18 = arith.addi %scan3A_16, %scan3A_17 : i32
    %scan3A_19 = arith.constant 1 : i32
    scf.for %scan3A_40 = %scan3A_16 to %scan3A_18 step %scan3A_19  : i32 {
      %mul3A_41 = arith.constant 3 : i32
      %mul3A_42 = arith.muli %scan3A_40, %mul3A_41 : i32
      %add3A_43 = arith.constant 0 : i32
      %add3A_44 = arith.addi %mul3A_42, %add3A_43 : i32
      %dma_wait3A_45 = arith.constant 0 : i32
      %dma_wait3A_46 = tpu.memref_slice %arg7[%add3A_44, %dma_wait3A_45] : memref<125x80xi32, #tpu.memory_space<vmem>> -> memref<1x80xi32, #tpu.memory_space<vmem>>
      %dma_wait3A_47 = tpu.memref_squeeze %dma_wait3A_46 : memref<1x80xi32, #tpu.memory_space<vmem>> -> memref<80xi32, #tpu.memory_space<vmem>>
      %dma_wait3A_48 = arith.constant 0 : i32
      %dma_wait3A_49 = arith.constant 0 : i32
      %dma_wait3A_50 = tpu.memref_slice %arg2[%dma_wait3A_48, %dma_wait3A_49] : memref<10000x128xf32, #tpu.memory_space<hbm>> -> memref<10000x128xf32, #tpu.memory_space<hbm>>
      tpu.wait_indirect_dma semaphore(%arg13 : memref<!tpu.dma_semaphore, #tpu.memory_space<semaphore_mem>>) src(%dma_wait3A_50 : memref<10000x128xf32, #tpu.memory_space<hbm>>) dst(%arg9 : memref<80x128xf32, #tpu.memory_space<vmem>>)
      %add3A_51 = arith.constant 2 : i32
      %add3A_52 = arith.addi %add3A_44, %add3A_51 : i32
      %lt3A = arith.constant 125 : i32
      %lt3A_53 = arith.cmpi slt, %add3A_52, %lt3A : i32
      %convert_element_type3A = arith.extui %lt3A_53 : i1 to i32
      %cond3A = arith.constant 0 : i32
      %cond3A_54 = arith.cmpi ne, %convert_element_type3A, %cond3A : i32
      scf.if %cond3A_54 {
        %add3A_85 = arith.constant 2 : i32
        %add3A_86 = arith.addi %add3A_44, %add3A_85 : i32
        %dma_start3A_87 = arith.constant 0 : i32
        %dma_start3A_88 = tpu.memref_slice %arg7[%add3A_86, %dma_start3A_87] : memref<125x80xi32, #tpu.memory_space<vmem>> -> memref<1x80xi32, #tpu.memory_space<vmem>>
        %dma_start3A_89 = tpu.memref_squeeze %dma_start3A_88 : memref<1x80xi32, #tpu.memory_space<vmem>> -> memref<80xi32, #tpu.memory_space<vmem>>
        %dma_start3A_90 = arith.constant 0 : i32
        %dma_start3A_91 = arith.constant 0 : i32
        %dma_start3A_92 = tpu.memref_slice %arg2[%dma_start3A_90, %dma_start3A_91] : memref<10000x128xf32, #tpu.memory_space<hbm>> -> memref<10000x128xf32, #tpu.memory_space<hbm>>
        tpu.enqueue_indirect_dma source(%dma_start3A_92 : memref<10000x128xf32, #tpu.memory_space<hbm>>) target(%arg11 : memref<80x128xf32, #tpu.memory_space<vmem>>) offsets(%dma_start3A_89 : memref<80xi32, #tpu.memory_space<vmem>>) semaphore(%arg13 : memref<!tpu.dma_semaphore, #tpu.memory_space<semaphore_mem>>)
      } else {
      }
      "tpu.region"() ({
        %run_scoped3A_85 = tpu.sem_alloc : memref<!tpu.dma_semaphore, #tpu.memory_space<semaphore_mem>>
        %dma_start3A_86 = arith.constant 0 : i32
        %dma_start3A_87 = tpu.memref_slice %arg8[%add3A_44, %dma_start3A_86] : memref<125x80xi32, #tpu.memory_space<vmem>> -> memref<1x80xi32, #tpu.memory_space<vmem>>
        %dma_start3A_88 = tpu.memref_squeeze %dma_start3A_87 : memref<1x80xi32, #tpu.memory_space<vmem>> -> memref<80xi32, #tpu.memory_space<vmem>>
        %dma_start3A_89 = arith.constant 0 : i32
        %dma_start3A_90 = arith.constant 0 : i32
        %dma_start3A_91 = tpu.memref_slice %arg12[%dma_start3A_89, %dma_start3A_90] : memref<10000x128xf32, #tpu.memory_space<vmem_shared>> -> memref<10000x128xf32, #tpu.memory_space<vmem_shared>>
        tpu.enqueue_indirect_dma source(%arg9 : memref<80x128xf32, #tpu.memory_space<vmem>>) target(%dma_start3A_91 : memref<10000x128xf32, #tpu.memory_space<vmem_shared>>) offsets(%dma_start3A_88 : memref<80xi32, #tpu.memory_space<vmem>>) semaphore(%run_scoped3A_85 : memref<!tpu.dma_semaphore, #tpu.memory_space<semaphore_mem>>) {add = true}
        %dma_wait3A_92 = arith.constant 0 : i32
        %dma_wait3A_93 = tpu.memref_slice %arg8[%add3A_44, %dma_wait3A_92] : memref<125x80xi32, #tpu.memory_space<vmem>> -> memref<1x80xi32, #tpu.memory_space<vmem>>
        %dma_wait3A_94 = tpu.memref_squeeze %dma_wait3A_93 : memref<1x80xi32, #tpu.memory_space<vmem>> -> memref<80xi32, #tpu.memory_space<vmem>>
        %dma_wait3A_95 = arith.constant 0 : i32
        %dma_wait3A_96 = arith.constant 0 : i32
        %dma_wait3A_97 = tpu.memref_slice %arg12[%dma_wait3A_95, %dma_wait3A_96] : memref<10000x128xf32, #tpu.memory_space<vmem_shared>> -> memref<10000x128xf32, #tpu.memory_space<vmem_shared>>
        tpu.wait_indirect_dma semaphore(%run_scoped3A_85 : memref<!tpu.dma_semaphore, #tpu.memory_space<semaphore_mem>>) src(%arg9 : memref<80x128xf32, #tpu.memory_space<vmem>>) dst(%dma_wait3A_97 : memref<10000x128xf32, #tpu.memory_space<vmem_shared>>)
        tpu.yield
      }) : () -> ()
      %add3A_55 = arith.constant 1 : i32
      %add3A_56 = arith.addi %mul3A_42, %add3A_55 : i32
      %dma_wait3A_57 = arith.constant 0 : i32
      %dma_wait3A_58 = tpu.memref_slice %arg7[%add3A_56, %dma_wait3A_57] : memref<125x80xi32, #tpu.memory_space<vmem>> -> memref<1x80xi32, #tpu.memory_space<vmem>>
      %dma_wait3A_59 = tpu.memref_squeeze %dma_wait3A_58 : memref<1x80xi32, #tpu.memory_space<vmem>> -> memref<80xi32, #tpu.memory_space<vmem>>
      %dma_wait3A_60 = arith.constant 0 : i32
      %dma_wait3A_61 = arith.constant 0 : i32
      %dma_wait3A_62 = tpu.memref_slice %arg2[%dma_wait3A_60, %dma_wait3A_61] : memref<10000x128xf32, #tpu.memory_space<hbm>> -> memref<10000x128xf32, #tpu.memory_space<hbm>>
      tpu.wait_indirect_dma semaphore(%arg13 : memref<!tpu.dma_semaphore, #tpu.memory_space<semaphore_mem>>) src(%dma_wait3A_62 : memref<10000x128xf32, #tpu.memory_space<hbm>>) dst(%arg10 : memref<80x128xf32, #tpu.memory_space<vmem>>)
      %add3A_63 = arith.constant 2 : i32
      %add3A_64 = arith.addi %add3A_56, %add3A_63 : i32
      %lt3A_65 = arith.constant 125 : i32
      %lt3A_66 = arith.cmpi slt, %add3A_64, %lt3A_65 : i32
      %convert_element_type3A_67 = arith.extui %lt3A_66 : i1 to i32
      %cond3A_68 = arith.constant 0 : i32
      %cond3A_69 = arith.cmpi ne, %convert_element_type3A_67, %cond3A_68 : i32
      scf.if %cond3A_69 {
        %add3A_85 = arith.constant 2 : i32
        %add3A_86 = arith.addi %add3A_56, %add3A_85 : i32
        %dma_start3A_87 = arith.constant 0 : i32
        %dma_start3A_88 = tpu.memref_slice %arg7[%add3A_86, %dma_start3A_87] : memref<125x80xi32, #tpu.memory_space<vmem>> -> memref<1x80xi32, #tpu.memory_space<vmem>>
        %dma_start3A_89 = tpu.memref_squeeze %dma_start3A_88 : memref<1x80xi32, #tpu.memory_space<vmem>> -> memref<80xi32, #tpu.memory_space<vmem>>
        %dma_start3A_90 = arith.constant 0 : i32
        %dma_start3A_91 = arith.constant 0 : i32
        %dma_start3A_92 = tpu.memref_slice %arg2[%dma_start3A_90, %dma_start3A_91] : memref<10000x128xf32, #tpu.memory_space<hbm>> -> memref<10000x128xf32, #tpu.memory_space<hbm>>
        tpu.enqueue_indirect_dma source(%dma_start3A_92 : memref<10000x128xf32, #tpu.memory_space<hbm>>) target(%arg9 : memref<80x128xf32, #tpu.memory_space<vmem>>) offsets(%dma_start3A_89 : memref<80xi32, #tpu.memory_space<vmem>>) semaphore(%arg13 : memref<!tpu.dma_semaphore, #tpu.memory_space<semaphore_mem>>)
      } else {
      }
      "tpu.region"() ({
        %run_scoped3A_85 = tpu.sem_alloc : memref<!tpu.dma_semaphore, #tpu.memory_space<semaphore_mem>>
        %dma_start3A_86 = arith.constant 0 : i32
        %dma_start3A_87 = tpu.memref_slice %arg8[%add3A_56, %dma_start3A_86] : memref<125x80xi32, #tpu.memory_space<vmem>> -> memref<1x80xi32, #tpu.memory_space<vmem>>
        %dma_start3A_88 = tpu.memref_squeeze %dma_start3A_87 : memref<1x80xi32, #tpu.memory_space<vmem>> -> memref<80xi32, #tpu.memory_space<vmem>>
        %dma_start3A_89 = arith.constant 0 : i32
        %dma_start3A_90 = arith.constant 0 : i32
        %dma_start3A_91 = tpu.memref_slice %arg12[%dma_start3A_89, %dma_start3A_90] : memref<10000x128xf32, #tpu.memory_space<vmem_shared>> -> memref<10000x128xf32, #tpu.memory_space<vmem_shared>>
        tpu.enqueue_indirect_dma source(%arg10 : memref<80x128xf32, #tpu.memory_space<vmem>>) target(%dma_start3A_91 : memref<10000x128xf32, #tpu.memory_space<vmem_shared>>) offsets(%dma_start3A_88 : memref<80xi32, #tpu.memory_space<vmem>>) semaphore(%run_scoped3A_85 : memref<!tpu.dma_semaphore, #tpu.memory_space<semaphore_mem>>) {add = true}
        %dma_wait3A_92 = arith.constant 0 : i32
        %dma_wait3A_93 = tpu.memref_slice %arg8[%add3A_56, %dma_wait3A_92] : memref<125x80xi32, #tpu.memory_space<vmem>> -> memref<1x80xi32, #tpu.memory_space<vmem>>
        %dma_wait3A_94 = tpu.memref_squeeze %dma_wait3A_93 : memref<1x80xi32, #tpu.memory_space<vmem>> -> memref<80xi32, #tpu.memory_space<vmem>>
        %dma_wait3A_95 = arith.constant 0 : i32
        %dma_wait3A_96 = arith.constant 0 : i32
        %dma_wait3A_97 = tpu.memref_slice %arg12[%dma_wait3A_95, %dma_wait3A_96] : memref<10000x128xf32, #tpu.memory_space<vmem_shared>> -> memref<10000x128xf32, #tpu.memory_space<vmem_shared>>
        tpu.wait_indirect_dma semaphore(%run_scoped3A_85 : memref<!tpu.dma_semaphore, #tpu.memory_space<semaphore_mem>>) src(%arg10 : memref<80x128xf32, #tpu.memory_space<vmem>>) dst(%dma_wait3A_97 : memref<10000x128xf32, #tpu.memory_space<vmem_shared>>)
        tpu.yield
      }) : () -> ()
      %add3A_70 = arith.constant 2 : i32
      %add3A_71 = arith.addi %mul3A_42, %add3A_70 : i32
      %dma_wait3A_72 = arith.constant 0 : i32
      %dma_wait3A_73 = tpu.memref_slice %arg7[%add3A_71, %dma_wait3A_72] : memref<125x80xi32, #tpu.memory_space<vmem>> -> memref<1x80xi32, #tpu.memory_space<vmem>>
      %dma_wait3A_74 = tpu.memref_squeeze %dma_wait3A_73 : memref<1x80xi32, #tpu.memory_space<vmem>> -> memref<80xi32, #tpu.memory_space<vmem>>
      %dma_wait3A_75 = arith.constant 0 : i32
      %dma_wait3A_76 = arith.constant 0 : i32
      %dma_wait3A_77 = tpu.memref_slice %arg2[%dma_wait3A_75, %dma_wait3A_76] : memref<10000x128xf32, #tpu.memory_space<hbm>> -> memref<10000x128xf32, #tpu.memory_space<hbm>>
      tpu.wait_indirect_dma semaphore(%arg13 : memref<!tpu.dma_semaphore, #tpu.memory_space<semaphore_mem>>) src(%dma_wait3A_77 : memref<10000x128xf32, #tpu.memory_space<hbm>>) dst(%arg11 : memref<80x128xf32, #tpu.memory_space<vmem>>)
      %add3A_78 = arith.constant 2 : i32
      %add3A_79 = arith.addi %add3A_71, %add3A_78 : i32
      %lt3A_80 = arith.constant 125 : i32
      %lt3A_81 = arith.cmpi slt, %add3A_79, %lt3A_80 : i32
      %convert_element_type3A_82 = arith.extui %lt3A_81 : i1 to i32
      %cond3A_83 = arith.constant 0 : i32
      %cond3A_84 = arith.cmpi ne, %convert_element_type3A_82, %cond3A_83 : i32
      scf.if %cond3A_84 {
        %add3A_85 = arith.constant 2 : i32
        %add3A_86 = arith.addi %add3A_71, %add3A_85 : i32
        %dma_start3A_87 = arith.constant 0 : i32
        %dma_start3A_88 = tpu.memref_slice %arg7[%add3A_86, %dma_start3A_87] : memref<125x80xi32, #tpu.memory_space<vmem>> -> memref<1x80xi32, #tpu.memory_space<vmem>>
        %dma_start3A_89 = tpu.memref_squeeze %dma_start3A_88 : memref<1x80xi32, #tpu.memory_space<vmem>> -> memref<80xi32, #tpu.memory_space<vmem>>
        %dma_start3A_90 = arith.constant 0 : i32
        %dma_start3A_91 = arith.constant 0 : i32
        %dma_start3A_92 = tpu.memref_slice %arg2[%dma_start3A_90, %dma_start3A_91] : memref<10000x128xf32, #tpu.memory_space<hbm>> -> memref<10000x128xf32, #tpu.memory_space<hbm>>
        tpu.enqueue_indirect_dma source(%dma_start3A_92 : memref<10000x128xf32, #tpu.memory_space<hbm>>) target(%arg10 : memref<80x128xf32, #tpu.memory_space<vmem>>) offsets(%dma_start3A_89 : memref<80xi32, #tpu.memory_space<vmem>>) semaphore(%arg13 : memref<!tpu.dma_semaphore, #tpu.memory_space<semaphore_mem>>)
      } else {
      }
      "tpu.region"() ({
        %run_scoped3A_85 = tpu.sem_alloc : memref<!tpu.dma_semaphore, #tpu.memory_space<semaphore_mem>>
        %dma_start3A_86 = arith.constant 0 : i32
        %dma_start3A_87 = tpu.memref_slice %arg8[%add3A_71, %dma_start3A_86] : memref<125x80xi32, #tpu.memory_space<vmem>> -> memref<1x80xi32, #tpu.memory_space<vmem>>
        %dma_start3A_88 = tpu.memref_squeeze %dma_start3A_87 : memref<1x80xi32, #tpu.memory_space<vmem>> -> memref<80xi32, #tpu.memory_space<vmem>>
        %dma_start3A_89 = arith.constant 0 : i32
        %dma_start3A_90 = arith.constant 0 : i32
        %dma_start3A_91 = tpu.memref_slice %arg12[%dma_start3A_89, %dma_start3A_90] : memref<10000x128xf32, #tpu.memory_space<vmem_shared>> -> memref<10000x128xf32, #tpu.memory_space<vmem_shared>>
        tpu.enqueue_indirect_dma source(%arg11 : memref<80x128xf32, #tpu.memory_space<vmem>>) target(%dma_start3A_91 : memref<10000x128xf32, #tpu.memory_space<vmem_shared>>) offsets(%dma_start3A_88 : memref<80xi32, #tpu.memory_space<vmem>>) semaphore(%run_scoped3A_85 : memref<!tpu.dma_semaphore, #tpu.memory_space<semaphore_mem>>) {add = true}
        %dma_wait3A_92 = arith.constant 0 : i32
        %dma_wait3A_93 = tpu.memref_slice %arg8[%add3A_71, %dma_wait3A_92] : memref<125x80xi32, #tpu.memory_space<vmem>> -> memref<1x80xi32, #tpu.memory_space<vmem>>
        %dma_wait3A_94 = tpu.memref_squeeze %dma_wait3A_93 : memref<1x80xi32, #tpu.memory_space<vmem>> -> memref<80xi32, #tpu.memory_space<vmem>>
        %dma_wait3A_95 = arith.constant 0 : i32
        %dma_wait3A_96 = arith.constant 0 : i32
        %dma_wait3A_97 = tpu.memref_slice %arg12[%dma_wait3A_95, %dma_wait3A_96] : memref<10000x128xf32, #tpu.memory_space<vmem_shared>> -> memref<10000x128xf32, #tpu.memory_space<vmem_shared>>
        tpu.wait_indirect_dma semaphore(%run_scoped3A_85 : memref<!tpu.dma_semaphore, #tpu.memory_space<semaphore_mem>>) src(%arg11 : memref<80x128xf32, #tpu.memory_space<vmem>>) dst(%dma_wait3A_97 : memref<10000x128xf32, #tpu.memory_space<vmem_shared>>)
        tpu.yield
      }) : () -> ()
    }
    %scan3A_20 = arith.constant 41 : i32
    %dma_wait3A = arith.constant 123 : i32
    %dma_wait3A_21 = arith.constant 0 : i32
    %dma_wait3A_22 = tpu.memref_slice %arg7[%dma_wait3A, %dma_wait3A_21] : memref<125x80xi32, #tpu.memory_space<vmem>> -> memref<1x80xi32, #tpu.memory_space<vmem>>
    %dma_wait3A_23 = tpu.memref_squeeze %dma_wait3A_22 : memref<1x80xi32, #tpu.memory_space<vmem>> -> memref<80xi32, #tpu.memory_space<vmem>>
    %dma_wait3A_24 = arith.constant 0 : i32
    %dma_wait3A_25 = arith.constant 0 : i32
    %dma_wait3A_26 = tpu.memref_slice %arg2[%dma_wait3A_24, %dma_wait3A_25] : memref<10000x128xf32, #tpu.memory_space<hbm>> -> memref<10000x128xf32, #tpu.memory_space<hbm>>
    tpu.wait_indirect_dma semaphore(%arg13 : memref<!tpu.dma_semaphore, #tpu.memory_space<semaphore_mem>>) src(%dma_wait3A_26 : memref<10000x128xf32, #tpu.memory_space<hbm>>) dst(%arg9 : memref<80x128xf32, #tpu.memory_space<vmem>>)
    %run_scoped3A = arith.constant 123 : i32
    "tpu.region"() ({
      %run_scoped3A_40 = tpu.sem_alloc : memref<!tpu.dma_semaphore, #tpu.memory_space<semaphore_mem>>
      %dma_start3A_41 = arith.constant 0 : i32
      %dma_start3A_42 = tpu.memref_slice %arg8[%run_scoped3A, %dma_start3A_41] : memref<125x80xi32, #tpu.memory_space<vmem>> -> memref<1x80xi32, #tpu.memory_space<vmem>>
      %dma_start3A_43 = tpu.memref_squeeze %dma_start3A_42 : memref<1x80xi32, #tpu.memory_space<vmem>> -> memref<80xi32, #tpu.memory_space<vmem>>
      %dma_start3A_44 = arith.constant 0 : i32
      %dma_start3A_45 = arith.constant 0 : i32
      %dma_start3A_46 = tpu.memref_slice %arg12[%dma_start3A_44, %dma_start3A_45] : memref<10000x128xf32, #tpu.memory_space<vmem_shared>> -> memref<10000x128xf32, #tpu.memory_space<vmem_shared>>
      tpu.enqueue_indirect_dma source(%arg9 : memref<80x128xf32, #tpu.memory_space<vmem>>) target(%dma_start3A_46 : memref<10000x128xf32, #tpu.memory_space<vmem_shared>>) offsets(%dma_start3A_43 : memref<80xi32, #tpu.memory_space<vmem>>) semaphore(%run_scoped3A_40 : memref<!tpu.dma_semaphore, #tpu.memory_space<semaphore_mem>>) {add = true}
      %dma_wait3A_47 = arith.constant 0 : i32
      %dma_wait3A_48 = tpu.memref_slice %arg8[%run_scoped3A, %dma_wait3A_47] : memref<125x80xi32, #tpu.memory_space<vmem>> -> memref<1x80xi32, #tpu.memory_space<vmem>>
      %dma_wait3A_49 = tpu.memref_squeeze %dma_wait3A_48 : memref<1x80xi32, #tpu.memory_space<vmem>> -> memref<80xi32, #tpu.memory_space<vmem>>
      %dma_wait3A_50 = arith.constant 0 : i32
      %dma_wait3A_51 = arith.constant 0 : i32
      %dma_wait3A_52 = tpu.memref_slice %arg12[%dma_wait3A_50, %dma_wait3A_51] : memref<10000x128xf32, #tpu.memory_space<vmem_shared>> -> memref<10000x128xf32, #tpu.memory_space<vmem_shared>>
      tpu.wait_indirect_dma semaphore(%run_scoped3A_40 : memref<!tpu.dma_semaphore, #tpu.memory_space<semaphore_mem>>) src(%arg9 : memref<80x128xf32, #tpu.memory_space<vmem>>) dst(%dma_wait3A_52 : memref<10000x128xf32, #tpu.memory_space<vmem_shared>>)
      tpu.yield
    }) : () -> ()
    %dma_wait3A_27 = arith.constant 124 : i32
    %dma_wait3A_28 = arith.constant 0 : i32
    %dma_wait3A_29 = tpu.memref_slice %arg7[%dma_wait3A_27, %dma_wait3A_28] : memref<125x80xi32, #tpu.memory_space<vmem>> -> memref<1x80xi32, #tpu.memory_space<vmem>>
    %dma_wait3A_30 = tpu.memref_squeeze %dma_wait3A_29 : memref<1x80xi32, #tpu.memory_space<vmem>> -> memref<80xi32, #tpu.memory_space<vmem>>
    %dma_wait3A_31 = arith.constant 0 : i32
    %dma_wait3A_32 = arith.constant 0 : i32
    %dma_wait3A_33 = tpu.memref_slice %arg2[%dma_wait3A_31, %dma_wait3A_32] : memref<10000x128xf32, #tpu.memory_space<hbm>> -> memref<10000x128xf32, #tpu.memory_space<hbm>>
    tpu.wait_indirect_dma semaphore(%arg13 : memref<!tpu.dma_semaphore, #tpu.memory_space<semaphore_mem>>) src(%dma_wait3A_33 : memref<10000x128xf32, #tpu.memory_space<hbm>>) dst(%arg10 : memref<80x128xf32, #tpu.memory_space<vmem>>)
    %run_scoped3A_34 = arith.constant 124 : i32
    "tpu.region"() ({
      %run_scoped3A_40 = tpu.sem_alloc : memref<!tpu.dma_semaphore, #tpu.memory_space<semaphore_mem>>
      %dma_start3A_41 = arith.constant 0 : i32
      %dma_start3A_42 = tpu.memref_slice %arg8[%run_scoped3A_34, %dma_start3A_41] : memref<125x80xi32, #tpu.memory_space<vmem>> -> memref<1x80xi32, #tpu.memory_space<vmem>>
      %dma_start3A_43 = tpu.memref_squeeze %dma_start3A_42 : memref<1x80xi32, #tpu.memory_space<vmem>> -> memref<80xi32, #tpu.memory_space<vmem>>
      %dma_start3A_44 = arith.constant 0 : i32
      %dma_start3A_45 = arith.constant 0 : i32
      %dma_start3A_46 = tpu.memref_slice %arg12[%dma_start3A_44, %dma_start3A_45] : memref<10000x128xf32, #tpu.memory_space<vmem_shared>> -> memref<10000x128xf32, #tpu.memory_space<vmem_shared>>
      tpu.enqueue_indirect_dma source(%arg10 : memref<80x128xf32, #tpu.memory_space<vmem>>) target(%dma_start3A_46 : memref<10000x128xf32, #tpu.memory_space<vmem_shared>>) offsets(%dma_start3A_43 : memref<80xi32, #tpu.memory_space<vmem>>) semaphore(%run_scoped3A_40 : memref<!tpu.dma_semaphore, #tpu.memory_space<semaphore_mem>>) {add = true}
      %dma_wait3A_47 = arith.constant 0 : i32
      %dma_wait3A_48 = tpu.memref_slice %arg8[%run_scoped3A_34, %dma_wait3A_47] : memref<125x80xi32, #tpu.memory_space<vmem>> -> memref<1x80xi32, #tpu.memory_space<vmem>>
      %dma_wait3A_49 = tpu.memref_squeeze %dma_wait3A_48 : memref<1x80xi32, #tpu.memory_space<vmem>> -> memref<80xi32, #tpu.memory_space<vmem>>
      %dma_wait3A_50 = arith.constant 0 : i32
      %dma_wait3A_51 = arith.constant 0 : i32
      %dma_wait3A_52 = tpu.memref_slice %arg12[%dma_wait3A_50, %dma_wait3A_51] : memref<10000x128xf32, #tpu.memory_space<vmem_shared>> -> memref<10000x128xf32, #tpu.memory_space<vmem_shared>>
      tpu.wait_indirect_dma semaphore(%run_scoped3A_40 : memref<!tpu.dma_semaphore, #tpu.memory_space<semaphore_mem>>) src(%arg10 : memref<80x128xf32, #tpu.memory_space<vmem>>) dst(%dma_wait3A_52 : memref<10000x128xf32, #tpu.memory_space<vmem_shared>>)
      tpu.yield
    }) : () -> ()
    %barrier3A_35 = arith.constant 0 : index
    tpu.barrier barrier_id(%barrier3A_35)
    %mul3A_36 = arith.constant 625 : i32
    %mul3A_37 = arith.muli %arg1, %mul3A_36 : i32
    %mul3A_38 = arith.constant 625 : i32
    %mul3A_39 = arith.muli %arg1, %mul3A_38 : i32
    "tpu.region"() ({
      %run_scoped3A_40 = tpu.sem_alloc : memref<!tpu.dma_semaphore, #tpu.memory_space<semaphore_mem>>
      %dma_start3A_41 = arith.constant 0 : i32
      %dma_start3A_42 = tpu.memref_slice %arg6[%arg0, %mul3A_39, %dma_start3A_41] : memref<2x10000x128xf32, #tpu.memory_space<hbm>> -> memref<1x625x128xf32, #tpu.memory_space<hbm>>
      %dma_start3A_43 = tpu.memref_squeeze %dma_start3A_42 : memref<1x625x128xf32, #tpu.memory_space<hbm>> -> memref<625x128xf32, #tpu.memory_space<hbm>>
      %dma_start3A_44 = arith.constant 0 : i32
      %dma_start3A_45 = tpu.memref_slice %arg12[%mul3A_37, %dma_start3A_44] : memref<10000x128xf32, #tpu.memory_space<vmem_shared>> -> memref<625x128xf32, #tpu.memory_space<vmem_shared>>
      tpu.enqueue_dma source(%dma_start3A_45 : memref<625x128xf32, #tpu.memory_space<vmem_shared>>) target(%dma_start3A_43 : memref<625x128xf32, #tpu.memory_space<hbm>>) target_semaphore(%run_scoped3A_40 : memref<!tpu.dma_semaphore, #tpu.memory_space<semaphore_mem>>)
      %dma_wait3A_46 = arith.constant 0 : i32
      %dma_wait3A_47 = tpu.memref_slice %arg6[%arg0, %mul3A_39, %dma_wait3A_46] : memref<2x10000x128xf32, #tpu.memory_space<hbm>> -> memref<1x625x128xf32, #tpu.memory_space<hbm>>
      %dma_wait3A_48 = tpu.memref_squeeze %dma_wait3A_47 : memref<1x625x128xf32, #tpu.memory_space<hbm>> -> memref<625x128xf32, #tpu.memory_space<hbm>>
      %dma_wait3A_49 = arith.constant 0 : i32
      %dma_wait3A_50 = tpu.memref_slice %arg12[%mul3A_37, %dma_wait3A_49] : memref<10000x128xf32, #tpu.memory_space<vmem_shared>> -> memref<625x128xf32, #tpu.memory_space<vmem_shared>>
      tpu.wait_dma2 semaphore(%run_scoped3A_40 : memref<!tpu.dma_semaphore, #tpu.memory_space<semaphore_mem>>) src(%dma_wait3A_50 : memref<625x128xf32, #tpu.memory_space<vmem_shared>>) dst(%dma_wait3A_48 : memref<625x128xf32, #tpu.memory_space<hbm>>)
      tpu.yield
    }) : () -> ()
    return
  }
}

module attributes {stable_mosaic.version = 14 : i64} {
  func.func @_tc_first_body(%arg0: memref<2x10000x16xf32, #tpu.memory_space<vmem>>, %arg1: memref<10000x128xf32, #tpu.memory_space<vmem>>, %arg2: memref<128x128xf32, #tpu.memory_space<vmem>>, %arg3: memref<10000x128xf32, #tpu.memory_space<vmem>>, %arg4: memref<10000x1xf32, #tpu.memory_space<vmem>>) attributes {dimension_semantics = [], scalar_prefetch = 0 : i64, scratch_operands = 0 : i64, tpu.core_type = #tpu.core_type<tc>} {
    %get3A = arith.constant 0 : index
    %get3A_0 = arith.constant 0 : index
    %get3A_1 = arith.constant 0 : index
    %get3A_2 = vector.load %arg0[%get3A, %get3A_0, %get3A_1] : memref<2x10000x16xf32, #tpu.memory_space<vmem>>, vector<1x10000x1xf32>
    %get3A_3 = vector.shape_cast %get3A_2 : vector<1x10000x1xf32> to vector<10000x1xf32>
    %get3A_4 = arith.constant 1 : index
    %get3A_5 = arith.constant 0 : index
    %get3A_6 = arith.constant 0 : index
    %get3A_7 = vector.load %arg0[%get3A_4, %get3A_5, %get3A_6] : memref<2x10000x16xf32, #tpu.memory_space<vmem>>, vector<1x10000x1xf32>
    %get3A_8 = vector.shape_cast %get3A_7 : vector<1x10000x1xf32> to vector<10000x1xf32>
    %add3A = arith.addf %get3A_3, %get3A_8 : vector<10000x1xf32>
    %add3A_9 = arith.constant 1.000000e+00 : f32
    %add3A_10 = vector.broadcast %add3A_9 : f32 to vector<10000x1xf32>
    %add3A_11 = arith.addf %add3A, %add3A_10 : vector<10000x1xf32>
    %rsqrt3A = math.rsqrt %add3A_11 : vector<10000x1xf32>
    %get3A_12 = arith.constant 0 : index
    %get3A_13 = arith.constant 0 : index
    %get3A_14 = vector.load %arg1[%get3A_12, %get3A_13] : memref<10000x128xf32, #tpu.memory_space<vmem>>, vector<10000x128xf32>
    %get3A_15 = arith.constant 0 : index
    %get3A_16 = arith.constant 0 : index
    %get3A_17 = vector.load %arg2[%get3A_15, %get3A_16] : memref<128x128xf32, #tpu.memory_space<vmem>>, vector<128x128xf32>
    %dot_general3A = arith.constant dense<0.000000e+00> : vector<10000x128xf32>
    %dot_general3A_18 = tpu.matmul %get3A_14, %get3A_17, %dot_general3A {dimension_numbers = #tpu.dot_dimension_numbers<[1], [0], [0], [1], [0, 0, 1, 1], [], []>, transpose_lhs_hint = false} : vector<10000x128xf32>, vector<128x128xf32>, vector<10000x128xf32> -> vector<10000x128xf32>
    %mul3A = vector.broadcast %rsqrt3A : vector<10000x1xf32> to vector<10000x128xf32>
    %mul3A_19 = arith.mulf %dot_general3A_18, %mul3A : vector<10000x128xf32>
    %swap3A = arith.constant 0 : index
    %swap3A_20 = arith.constant 0 : index
    %swap3A_21 = vector.load %arg3[%swap3A, %swap3A_20] : memref<10000x128xf32, #tpu.memory_space<vmem>>, vector<10000x128xf32>
    tpu.vector_store %arg3[%swap3A, %swap3A_20], %mul3A_19 {strides = array<i32>} : memref<10000x128xf32, #tpu.memory_space<vmem>>, vector<10000x128xf32>,
    %swap3A_22 = arith.constant 0 : index
    %swap3A_23 = arith.constant 0 : index
    %swap3A_24 = vector.load %arg4[%swap3A_22, %swap3A_23] : memref<10000x1xf32, #tpu.memory_space<vmem>>, vector<10000x1xf32>
    tpu.vector_store %arg4[%swap3A_22, %swap3A_23], %rsqrt3A {strides = array<i32>} : memref<10000x1xf32, #tpu.memory_space<vmem>>, vector<10000x1xf32>,
    return
  }
}

module attributes {stable_mosaic.version = 14 : i64} {
  func.func @_tc_mid_body(%arg0: memref<2x10000x128xf32, #tpu.memory_space<vmem>>, %arg1: memref<10000x128xf32, #tpu.memory_space<vmem>>, %arg2: memref<10000x1xf32, #tpu.memory_space<vmem>>, %arg3: memref<1x128xf32, #tpu.memory_space<vmem>>, %arg4: memref<1x128xf32, #tpu.memory_space<vmem>>, %arg5: memref<1x128xf32, #tpu.memory_space<vmem>>, %arg6: memref<128x128xf32, #tpu.memory_space<vmem>>, %arg7: memref<10000x128xf32, #tpu.memory_space<vmem>>) attributes {dimension_semantics = [], scalar_prefetch = 0 : i64, scratch_operands = 0 : i64, tpu.core_type = #tpu.core_type<tc>} {
    %get3A = arith.constant 0 : index
    %get3A_0 = arith.constant 0 : index
    %get3A_1 = vector.load %arg2[%get3A, %get3A_0] : memref<10000x1xf32, #tpu.memory_space<vmem>>, vector<10000x1xf32>
    %get3A_2 = arith.constant 0 : index
    %get3A_3 = arith.constant 0 : index
    %get3A_4 = arith.constant 0 : index
    %get3A_5 = vector.load %arg0[%get3A_2, %get3A_3, %get3A_4] : memref<2x10000x128xf32, #tpu.memory_space<vmem>>, vector<1x10000x128xf32>
    %get3A_6 = vector.shape_cast %get3A_5 : vector<1x10000x128xf32> to vector<10000x128xf32>
    %get3A_7 = arith.constant 1 : index
    %get3A_8 = arith.constant 0 : index
    %get3A_9 = arith.constant 0 : index
    %get3A_10 = vector.load %arg0[%get3A_7, %get3A_8, %get3A_9] : memref<2x10000x128xf32, #tpu.memory_space<vmem>>, vector<1x10000x128xf32>
    %get3A_11 = vector.shape_cast %get3A_10 : vector<1x10000x128xf32> to vector<10000x128xf32>
    %add3A = arith.addf %get3A_6, %get3A_11 : vector<10000x128xf32>
    %get3A_12 = arith.constant 0 : index
    %get3A_13 = arith.constant 0 : index
    %get3A_14 = vector.load %arg1[%get3A_12, %get3A_13] : memref<10000x128xf32, #tpu.memory_space<vmem>>, vector<10000x128xf32>
    %add3A_15 = arith.addf %add3A, %get3A_14 : vector<10000x128xf32>
    %mul3A = vector.broadcast %get3A_1 : vector<10000x1xf32> to vector<10000x128xf32>
    %mul3A_16 = arith.mulf %add3A_15, %mul3A : vector<10000x128xf32>
    %get3A_17 = arith.constant 0 : index
    %get3A_18 = arith.constant 0 : index
    %get3A_19 = vector.load %arg3[%get3A_17, %get3A_18] : memref<1x128xf32, #tpu.memory_space<vmem>>, vector<1x128xf32>
    %add3A_20 = vector.broadcast %get3A_19 : vector<1x128xf32> to vector<10000x128xf32>
    %add3A_21 = arith.addf %mul3A_16, %add3A_20 : vector<10000x128xf32>
    %reduce_sum3A = arith.constant dense<0.000000e+00> : vector<128xf32>
    %reduce_sum3A_22 = vector.multi_reduction <add>, %add3A_21, %reduce_sum3A [0] : vector<10000x128xf32> to vector<128xf32>
    %div3A = arith.constant 1.000000e+04 : f32
    %div3A_23 = vector.broadcast %div3A : f32 to vector<128xf32>
    %div3A_24 = arith.divf %reduce_sum3A_22, %div3A_23 : vector<128xf32>
    %broadcast_in_dim3A = vector.shape_cast %div3A_24 : vector<128xf32> to vector<1x128xf32>
    %sub3A = vector.broadcast %broadcast_in_dim3A : vector<1x128xf32> to vector<10000x128xf32>
    %sub3A_25 = arith.subf %add3A_21, %sub3A : vector<10000x128xf32>
    %integer_pow3A = arith.mulf %sub3A_25, %sub3A_25 : vector<10000x128xf32>
    %reduce_sum3A_26 = arith.constant dense<0.000000e+00> : vector<128xf32>
    %reduce_sum3A_27 = vector.multi_reduction <add>, %integer_pow3A, %reduce_sum3A_26 [0] : vector<10000x128xf32> to vector<128xf32>
    %div3A_28 = arith.constant 1.000000e+04 : f32
    %div3A_29 = vector.broadcast %div3A_28 : f32 to vector<128xf32>
    %div3A_30 = arith.divf %reduce_sum3A_27, %div3A_29 : vector<128xf32>
    %get3A_31 = arith.constant 0 : index
    %get3A_32 = arith.constant 0 : index
    %get3A_33 = vector.load %arg4[%get3A_31, %get3A_32] : memref<1x128xf32, #tpu.memory_space<vmem>>, vector<1x128xf32>
    %broadcast_in_dim3A_34 = vector.shape_cast %div3A_24 : vector<128xf32> to vector<1x128xf32>
    %sub3A_35 = vector.broadcast %broadcast_in_dim3A_34 : vector<1x128xf32> to vector<10000x128xf32>
    %sub3A_36 = arith.subf %add3A_21, %sub3A_35 : vector<10000x128xf32>
    %mul3A_37 = vector.broadcast %get3A_33 : vector<1x128xf32> to vector<10000x128xf32>
    %mul3A_38 = arith.mulf %mul3A_37, %sub3A_36 : vector<10000x128xf32>
    %add3A_39 = arith.constant 9.99999974E-6 : f32
    %add3A_40 = vector.broadcast %add3A_39 : f32 to vector<128xf32>
    %add3A_41 = arith.addf %div3A_30, %add3A_40 : vector<128xf32>
    %rsqrt3A = math.rsqrt %add3A_41 : vector<128xf32>
    %broadcast_in_dim3A_42 = vector.shape_cast %rsqrt3A : vector<128xf32> to vector<1x128xf32>
    %mul3A_43 = vector.broadcast %broadcast_in_dim3A_42 : vector<1x128xf32> to vector<10000x128xf32>
    %mul3A_44 = arith.mulf %mul3A_38, %mul3A_43 : vector<10000x128xf32>
    %get3A_45 = arith.constant 0 : index
    %get3A_46 = arith.constant 0 : index
    %get3A_47 = vector.load %arg5[%get3A_45, %get3A_46] : memref<1x128xf32, #tpu.memory_space<vmem>>, vector<1x128xf32>
    %add3A_48 = vector.broadcast %get3A_47 : vector<1x128xf32> to vector<10000x128xf32>
    %add3A_49 = arith.addf %mul3A_44, %add3A_48 : vector<10000x128xf32>
    %max3A = arith.constant 0.000000e+00 : f32
    %max3A_50 = vector.broadcast %max3A : f32 to vector<10000x128xf32>
    %max3A_51 = arith.maximumf %add3A_49, %max3A_50 : vector<10000x128xf32>
    %get3A_52 = arith.constant 0 : index
    %get3A_53 = arith.constant 0 : index
    %get3A_54 = vector.load %arg6[%get3A_52, %get3A_53] : memref<128x128xf32, #tpu.memory_space<vmem>>, vector<128x128xf32>
    %dot_general3A = arith.constant dense<0.000000e+00> : vector<10000x128xf32>
    %dot_general3A_55 = tpu.matmul %max3A_51, %get3A_54, %dot_general3A {dimension_numbers = #tpu.dot_dimension_numbers<[1], [0], [0], [1], [0, 0, 1, 1], [], []>, transpose_lhs_hint = false} : vector<10000x128xf32>, vector<128x128xf32>, vector<10000x128xf32> -> vector<10000x128xf32>
    %mul3A_56 = vector.broadcast %get3A_1 : vector<10000x1xf32> to vector<10000x128xf32>
    %mul3A_57 = arith.mulf %dot_general3A_55, %mul3A_56 : vector<10000x128xf32>
    %swap3A = arith.constant 0 : index
    %swap3A_58 = arith.constant 0 : index
    %swap3A_59 = vector.load %arg7[%swap3A, %swap3A_58] : memref<10000x128xf32, #tpu.memory_space<vmem>>, vector<10000x128xf32>
    tpu.vector_store %arg7[%swap3A, %swap3A_58], %mul3A_57 {strides = array<i32>} : memref<10000x128xf32, #tpu.memory_space<vmem>>, vector<10000x128xf32>,
    return
  }
}

module attributes {stable_mosaic.version = 14 : i64} {
  func.func @_tc_head_body(%arg0: memref<2x10000x128xf32, #tpu.memory_space<vmem>>, %arg1: memref<10000x128xf32, #tpu.memory_space<vmem>>, %arg2: memref<10000x1xf32, #tpu.memory_space<vmem>>, %arg3: memref<1x128xf32, #tpu.memory_space<vmem>>, %arg4: memref<1x128xf32, #tpu.memory_space<vmem>>, %arg5: memref<1x128xf32, #tpu.memory_space<vmem>>, %arg6: memref<128x64xf32, #tpu.memory_space<vmem>>, %arg7: memref<1x64xf32, #tpu.memory_space<vmem>>, %arg8: memref<1x64xf32, #tpu.memory_space<vmem>>, %arg9: memref<1x64xf32, #tpu.memory_space<vmem>>, %arg10: memref<64x128xf32, #tpu.memory_space<vmem>>, %arg11: memref<1x128xf32, #tpu.memory_space<vmem>>, %arg12: memref<10000x128xf32, #tpu.memory_space<vmem>>) attributes {dimension_semantics = [], scalar_prefetch = 0 : i64, scratch_operands = 0 : i64, tpu.core_type = #tpu.core_type<tc>} {
    %get3A = arith.constant 0 : index
    %get3A_0 = arith.constant 0 : index
    %get3A_1 = vector.load %arg2[%get3A, %get3A_0] : memref<10000x1xf32, #tpu.memory_space<vmem>>, vector<10000x1xf32>
    %get3A_2 = arith.constant 0 : index
    %get3A_3 = arith.constant 0 : index
    %get3A_4 = arith.constant 0 : index
    %get3A_5 = vector.load %arg0[%get3A_2, %get3A_3, %get3A_4] : memref<2x10000x128xf32, #tpu.memory_space<vmem>>, vector<1x10000x128xf32>
    %get3A_6 = vector.shape_cast %get3A_5 : vector<1x10000x128xf32> to vector<10000x128xf32>
    %get3A_7 = arith.constant 1 : index
    %get3A_8 = arith.constant 0 : index
    %get3A_9 = arith.constant 0 : index
    %get3A_10 = vector.load %arg0[%get3A_7, %get3A_8, %get3A_9] : memref<2x10000x128xf32, #tpu.memory_space<vmem>>, vector<1x10000x128xf32>
    %get3A_11 = vector.shape_cast %get3A_10 : vector<1x10000x128xf32> to vector<10000x128xf32>
    %add3A = arith.addf %get3A_6, %get3A_11 : vector<10000x128xf32>
    %get3A_12 = arith.constant 0 : index
    %get3A_13 = arith.constant 0 : index
    %get3A_14 = vector.load %arg1[%get3A_12, %get3A_13] : memref<10000x128xf32, #tpu.memory_space<vmem>>, vector<10000x128xf32>
    %add3A_15 = arith.addf %add3A, %get3A_14 : vector<10000x128xf32>
    %mul3A = vector.broadcast %get3A_1 : vector<10000x1xf32> to vector<10000x128xf32>
    %mul3A_16 = arith.mulf %add3A_15, %mul3A : vector<10000x128xf32>
    %get3A_17 = arith.constant 0 : index
    %get3A_18 = arith.constant 0 : index
    %get3A_19 = vector.load %arg3[%get3A_17, %get3A_18] : memref<1x128xf32, #tpu.memory_space<vmem>>, vector<1x128xf32>
    %add3A_20 = vector.broadcast %get3A_19 : vector<1x128xf32> to vector<10000x128xf32>
    %add3A_21 = arith.addf %mul3A_16, %add3A_20 : vector<10000x128xf32>
    %reduce_sum3A = arith.constant dense<0.000000e+00> : vector<128xf32>
    %reduce_sum3A_22 = vector.multi_reduction <add>, %add3A_21, %reduce_sum3A [0] : vector<10000x128xf32> to vector<128xf32>
    %div3A = arith.constant 1.000000e+04 : f32
    %div3A_23 = vector.broadcast %div3A : f32 to vector<128xf32>
    %div3A_24 = arith.divf %reduce_sum3A_22, %div3A_23 : vector<128xf32>
    %broadcast_in_dim3A = vector.shape_cast %div3A_24 : vector<128xf32> to vector<1x128xf32>
    %sub3A = vector.broadcast %broadcast_in_dim3A : vector<1x128xf32> to vector<10000x128xf32>
    %sub3A_25 = arith.subf %add3A_21, %sub3A : vector<10000x128xf32>
    %integer_pow3A = arith.mulf %sub3A_25, %sub3A_25 : vector<10000x128xf32>
    %reduce_sum3A_26 = arith.constant dense<0.000000e+00> : vector<128xf32>
    %reduce_sum3A_27 = vector.multi_reduction <add>, %integer_pow3A, %reduce_sum3A_26 [0] : vector<10000x128xf32> to vector<128xf32>
    %div3A_28 = arith.constant 1.000000e+04 : f32
    %div3A_29 = vector.broadcast %div3A_28 : f32 to vector<128xf32>
    %div3A_30 = arith.divf %reduce_sum3A_27, %div3A_29 : vector<128xf32>
    %get3A_31 = arith.constant 0 : index
    %get3A_32 = arith.constant 0 : index
    %get3A_33 = vector.load %arg4[%get3A_31, %get3A_32] : memref<1x128xf32, #tpu.memory_space<vmem>>, vector<1x128xf32>
    %broadcast_in_dim3A_34 = vector.shape_cast %div3A_24 : vector<128xf32> to vector<1x128xf32>
    %sub3A_35 = vector.broadcast %broadcast_in_dim3A_34 : vector<1x128xf32> to vector<10000x128xf32>
    %sub3A_36 = arith.subf %add3A_21, %sub3A_35 : vector<10000x128xf32>
    %mul3A_37 = vector.broadcast %get3A_33 : vector<1x128xf32> to vector<10000x128xf32>
    %mul3A_38 = arith.mulf %mul3A_37, %sub3A_36 : vector<10000x128xf32>
    %add3A_39 = arith.constant 9.99999974E-6 : f32
    %add3A_40 = vector.broadcast %add3A_39 : f32 to vector<128xf32>
    %add3A_41 = arith.addf %div3A_30, %add3A_40 : vector<128xf32>
    %rsqrt3A = math.rsqrt %add3A_41 : vector<128xf32>
    %broadcast_in_dim3A_42 = vector.shape_cast %rsqrt3A : vector<128xf32> to vector<1x128xf32>
    %mul3A_43 = vector.broadcast %broadcast_in_dim3A_42 : vector<1x128xf32> to vector<10000x128xf32>
    %mul3A_44 = arith.mulf %mul3A_38, %mul3A_43 : vector<10000x128xf32>
    %get3A_45 = arith.constant 0 : index
    %get3A_46 = arith.constant 0 : index
    %get3A_47 = vector.load %arg5[%get3A_45, %get3A_46] : memref<1x128xf32, #tpu.memory_space<vmem>>, vector<1x128xf32>
    %add3A_48 = vector.broadcast %get3A_47 : vector<1x128xf32> to vector<10000x128xf32>
    %add3A_49 = arith.addf %mul3A_44, %add3A_48 : vector<10000x128xf32>
    %max3A = arith.constant 0.000000e+00 : f32
    %max3A_50 = vector.broadcast %max3A : f32 to vector<10000x128xf32>
    %max3A_51 = arith.maximumf %add3A_49, %max3A_50 : vector<10000x128xf32>
    %get3A_52 = arith.constant 0 : index
    %get3A_53 = arith.constant 0 : index
    %get3A_54 = vector.load %arg6[%get3A_52, %get3A_53] : memref<128x64xf32, #tpu.memory_space<vmem>>, vector<128x64xf32>
    %dot_general3A = arith.constant dense<0.000000e+00> : vector<10000x64xf32>
    %dot_general3A_55 = tpu.matmul %max3A_51, %get3A_54, %dot_general3A {dimension_numbers = #tpu.dot_dimension_numbers<[1], [0], [0], [1], [0, 0, 1, 1], [], []>, transpose_lhs_hint = false} : vector<10000x128xf32>, vector<128x64xf32>, vector<10000x64xf32> -> vector<10000x64xf32>
    %get3A_56 = arith.constant 0 : index
    %get3A_57 = arith.constant 0 : index
    %get3A_58 = vector.load %arg7[%get3A_56, %get3A_57] : memref<1x64xf32, #tpu.memory_space<vmem>>, vector<1x64xf32>
    %add3A_59 = vector.broadcast %get3A_58 : vector<1x64xf32> to vector<10000x64xf32>
    %add3A_60 = arith.addf %dot_general3A_55, %add3A_59 : vector<10000x64xf32>
    %max3A_61 = arith.constant 0.000000e+00 : f32
    %max3A_62 = vector.broadcast %max3A_61 : f32 to vector<10000x64xf32>
    %max3A_63 = arith.maximumf %add3A_60, %max3A_62 : vector<10000x64xf32>
    %reduce_sum3A_64 = arith.constant dense<0.000000e+00> : vector<64xf32>
    %reduce_sum3A_65 = vector.multi_reduction <add>, %max3A_63, %reduce_sum3A_64 [0] : vector<10000x64xf32> to vector<64xf32>
    %div3A_66 = arith.constant 1.000000e+04 : f32
    %div3A_67 = vector.broadcast %div3A_66 : f32 to vector<64xf32>
    %div3A_68 = arith.divf %reduce_sum3A_65, %div3A_67 : vector<64xf32>
    %broadcast_in_dim3A_69 = vector.shape_cast %div3A_68 : vector<64xf32> to vector<1x64xf32>
    %sub3A_70 = vector.broadcast %broadcast_in_dim3A_69 : vector<1x64xf32> to vector<10000x64xf32>
    %sub3A_71 = arith.subf %max3A_63, %sub3A_70 : vector<10000x64xf32>
    %integer_pow3A_72 = arith.mulf %sub3A_71, %sub3A_71 : vector<10000x64xf32>
    %reduce_sum3A_73 = arith.constant dense<0.000000e+00> : vector<64xf32>
    %reduce_sum3A_74 = vector.multi_reduction <add>, %integer_pow3A_72, %reduce_sum3A_73 [0] : vector<10000x64xf32> to vector<64xf32>
    %div3A_75 = arith.constant 1.000000e+04 : f32
    %div3A_76 = vector.broadcast %div3A_75 : f32 to vector<64xf32>
    %div3A_77 = arith.divf %reduce_sum3A_74, %div3A_76 : vector<64xf32>
    %get3A_78 = arith.constant 0 : index
    %get3A_79 = arith.constant 0 : index
    %get3A_80 = vector.load %arg8[%get3A_78, %get3A_79] : memref<1x64xf32, #tpu.memory_space<vmem>>, vector<1x64xf32>
    %broadcast_in_dim3A_81 = vector.shape_cast %div3A_68 : vector<64xf32> to vector<1x64xf32>
    %sub3A_82 = vector.broadcast %broadcast_in_dim3A_81 : vector<1x64xf32> to vector<10000x64xf32>
    %sub3A_83 = arith.subf %max3A_63, %sub3A_82 : vector<10000x64xf32>
    %mul3A_84 = vector.broadcast %get3A_80 : vector<1x64xf32> to vector<10000x64xf32>
    %mul3A_85 = arith.mulf %mul3A_84, %sub3A_83 : vector<10000x64xf32>
    %add3A_86 = arith.constant 9.99999974E-6 : f32
    %add3A_87 = vector.broadcast %add3A_86 : f32 to vector<64xf32>
    %add3A_88 = arith.addf %div3A_77, %add3A_87 : vector<64xf32>
    %rsqrt3A_89 = math.rsqrt %add3A_88 : vector<64xf32>
    %broadcast_in_dim3A_90 = vector.shape_cast %rsqrt3A_89 : vector<64xf32> to vector<1x64xf32>
    %mul3A_91 = vector.broadcast %broadcast_in_dim3A_90 : vector<1x64xf32> to vector<10000x64xf32>
    %mul3A_92 = arith.mulf %mul3A_85, %mul3A_91 : vector<10000x64xf32>
    %get3A_93 = arith.constant 0 : index
    %get3A_94 = arith.constant 0 : index
    %get3A_95 = vector.load %arg9[%get3A_93, %get3A_94] : memref<1x64xf32, #tpu.memory_space<vmem>>, vector<1x64xf32>
    %add3A_96 = vector.broadcast %get3A_95 : vector<1x64xf32> to vector<10000x64xf32>
    %add3A_97 = arith.addf %mul3A_92, %add3A_96 : vector<10000x64xf32>
    %get3A_98 = arith.constant 0 : index
    %get3A_99 = arith.constant 0 : index
    %get3A_100 = vector.load %arg10[%get3A_98, %get3A_99] : memref<64x128xf32, #tpu.memory_space<vmem>>, vector<64x128xf32>
    %dot_general3A_101 = arith.constant dense<0.000000e+00> : vector<10000x128xf32>
    %dot_general3A_102 = tpu.matmul %add3A_97, %get3A_100, %dot_general3A_101 {dimension_numbers = #tpu.dot_dimension_numbers<[1], [0], [0], [1], [0, 0, 1, 1], [], []>, transpose_lhs_hint = false} : vector<10000x64xf32>, vector<64x128xf32>, vector<10000x128xf32> -> vector<10000x128xf32>
    %get3A_103 = arith.constant 0 : index
    %get3A_104 = arith.constant 0 : index
    %get3A_105 = vector.load %arg11[%get3A_103, %get3A_104] : memref<1x128xf32, #tpu.memory_space<vmem>>, vector<1x128xf32>
    %add3A_106 = vector.broadcast %get3A_105 : vector<1x128xf32> to vector<10000x128xf32>
    %add3A_107 = arith.addf %dot_general3A_102, %add3A_106 : vector<10000x128xf32>
    %iota3A = tpu.iota {dimensions = array<i32: 1>} : vector<10000x128xi32>
    %lt3A = arith.constant 10 : i32
    %lt3A_108 = vector.broadcast %lt3A : i32 to vector<10000x128xi32>
    %lt3A_109 = arith.cmpi slt, %iota3A, %lt3A_108 : vector<10000x128xi32>
    %jit3A = arith.constant -1.000000e+30 : f32
    %broadcast_in_dim3A_110 = vector.broadcast %jit3A : f32 to vector<10000x128xf32>
    %select_n3A = arith.select %lt3A_109, %add3A_107, %broadcast_in_dim3A_110 : vector<10000x128xi1>, vector<10000x128xf32>
    %reduce_max3A = arith.constant dense<0xFF800000> : vector<10000xf32>
    %reduce_max3A_111 = vector.multi_reduction <maximumf>, %select_n3A, %reduce_max3A [1] : vector<10000x128xf32> to vector<10000xf32>
    %broadcast_in_dim3A_112 = vector.shape_cast %reduce_max3A_111 : vector<10000xf32> to vector<10000x1xf32>
    %sub3A_113 = vector.broadcast %broadcast_in_dim3A_112 : vector<10000x1xf32> to vector<10000x128xf32>
    %sub3A_114 = arith.subf %select_n3A, %sub3A_113 : vector<10000x128xf32>
    %exp3A = math.exp %sub3A_114 : vector<10000x128xf32>
    %reduce_sum3A_115 = arith.constant dense<0.000000e+00> : vector<10000xf32>
    %reduce_sum3A_116 = vector.multi_reduction <add>, %exp3A, %reduce_sum3A_115 [1] : vector<10000x128xf32> to vector<10000xf32>
    %broadcast_in_dim3A_117 = vector.shape_cast %reduce_sum3A_116 : vector<10000xf32> to vector<10000x1xf32>
    %log3A = math.log %broadcast_in_dim3A_117 : vector<10000x1xf32>
    %add3A_118 = arith.addf %log3A, %broadcast_in_dim3A_112 : vector<10000x1xf32>
    %sub3A_119 = vector.broadcast %add3A_118 : vector<10000x1xf32> to vector<10000x128xf32>
    %sub3A_120 = arith.subf %select_n3A, %sub3A_119 : vector<10000x128xf32>
    %swap3A = arith.constant 0 : index
    %swap3A_121 = arith.constant 0 : index
    %swap3A_122 = vector.load %arg12[%swap3A, %swap3A_121] : memref<10000x128xf32, #tpu.memory_space<vmem>>, vector<10000x128xf32>
    tpu.vector_store %arg12[%swap3A, %swap3A_121], %sub3A_120 {strides = array<i32>} : memref<10000x128xf32, #tpu.memory_space<vmem>>, vector<10000x128xf32>,
    return
  }
}

</mosaic_0001>

<sc_bundles>
// kernel: kernel.11.cloned.1.call-start
scs
__scs_entry_jumppad:
0x0: {  	(pc) =	sbr.rel $0x88, $3  }
0x1: {  	(tag) =	ssettag $0x0;
	lr =	simm.s32 $0x1  }
0x2: {  	[smem:$0x3F91] =	sst lr;
	_ =	strace $0xD0000000  }
0x3: {  	_ = 	snop  }
0x4: {  	_ = 	snop  }
0x5: {  	_ = 	snop  }
0x6: {  	_ = 	snop  }
0x7: {  	_ = 	snop  }
__scs_overlays_trampoline_lowered:
0x8: {  	[smem:$0x3FA0] =	sst s0  }
0x9: {  	[smem:$0x3FA1] =	sst s1  }
0xa: {  	[smem:$0x3FA2] =	sst s2  }
0xb: {  	[smem:$0x3FA3] =	sst s3  }
0xc: {  	[smem:$0x3FA4] =	sst s4  }
0xd: {  	[smem:$0x3FA5] =	sst s5  }
0xe: {  	[smem:$0x3FA6] =	sst s6  }
0xf: {  	[smem:$0x3FA7] =	sst s7  }
0x10: {  	[smem:$0x3FA8] =	sst s8  }
0x11: {  	[smem:$0x3FA9] =	sst s9;
	s0 =	simm.s32 @!p0 $0x0  }
0x12: {  	s1 =	sld [smem:$0x3F8F];
	s0 =	simm.s32 @p0 $0x1  }
0x13: {  	[smem:$0x3FAA] =	sst s0;
	s0 =	simm.s32 @!p1 $0x0  }
0x14: {  	s2 =	sld [smem:$0x3F8E];
	s0 =	simm.s32 @p1 $0x1  }
0x15: {  	[smem:$0x3FAB] =	sst s0;
	s0 =	simm.s32 @!p2 $0x0  }
0x16: {  	s3 =	sld [smem:$0x3FDB];
	s0 =	simm.s32 @p2 $0x1  }
0x17: {  	s4 =	simm.s32 $0x1BF5;
	[smem:$0x3FAD] =	sst s0  }
0x18: {  	s0 =	sld [smem:$0x3F90];
	_ =	swait.ge [sflag:s4], $0x0  }
0x19: {  	s7 =	sld [smem:$0x3F91]  }
0x1a: {  	s8 =	sadd.s32 $0xFFFFE003, lr  }
0x1b: {  	s9 =	sadd.s32 $0xFFFFFEF7, lr;
	s5 =	simm.s32 $0xFFFFFFFF;
	p2 =	slt.u32 s8, $0xFFFFF086  }
0x1c: {  	p1 =	slt.u32 s9, $0xF7A;
	s5 =	simm.s32 @!p2 $0x0  }
0x1d: {  	s5 =	simm.s32 @p1 $0x1;
	p0 =	seq.s32 s7, s2  }
0x1e: {  	s7 =	smul.u32 @!p0 $0xF7A, s2;
	p2 =	seq.s32 @!p0 s5, $0x0  }
0x1f: {  	s9 =	smul.u32 $0xF7A, s1;
	s8 =	simm.s32 @!p0 $0x1BF5;
	p2 =	por !p2, p0  }
0x20: {  	[sflag:s8] =	ssyncset.s32 @!p0 $0xFFFFF086;
	s6 =	sadd.s32 @!p0 s3, s7;
	s7 =	simm.s32 @!p0 $0x108  }
0x21: {  	s3 =	sadd.s32 s3, s9;
	s6 =	sadd.s32 @!p0 $0x88, s6;
	s7 =	simm.s32 @p2 $0x1082  }
0x22: {  	[simem:s7], [sflag:s8] =	dma.local @!p0 [hbm:s6], $0xF7A  }
0x23: {  	s9 =	sor.u32 $0xD0000000, s2;
	s6 =	simm.s32 $0x108;
	_ =	swait.ge @!p0 [sflag:s8], $0x0  }
0x24: {  	s3 =	sadd.s32 $0x88, s3;
	s6 =	simm.s32 @!p1 $0x1082;
	[sflag:s4] =	ssyncset.s32 $0xFFFFF086  }
0x25: {  	[simem:s6], [sflag:s4] =	dma.local [hbm:s3], $0xF7A  }
0x26: {  	[smem:$0x3F91] =	sst s1;
	(tag) =	ssettag s2;
	_ =	strace s9  }
0x27: {  	s1 =	sld [smem:$0x3FA1]  }
0x28: {  	s2 =	sld [smem:$0x3FA2]  }
0x29: {  	s4 =	sld [smem:$0x3FA4]  }
0x2a: {  	p0 =	seq.s32 s5, $0x0;
	s5 =	sld [smem:$0x3FA5]  }
0x2b: {  	s6 =	sld [smem:$0x3FA6]  }
0x2c: {  	s7 =	sld [smem:$0x3FA7]  }
0x2d: {  	s3 =	simm.s32 $0x108;
	s8 =	sld [smem:$0x3FA8]  }
0x2e: {  	s3 =	simm.s32 @!p0 $0x1082;
	s9 =	sld [smem:$0x3FA9]  }
0x2f: {  	lr =	sadd.s32 s0, s3;
	s0 =	sld [smem:$0x3FA0]  }
0x30: {  	s3 =	sld [smem:$0x3FA3]  }
0x31: {  	[smem:$0x3FAC] =	sst s10  }
0x32: {  	s10 =	sld [smem:$0x3FAA];
	_ =	sdelay $0x3  }
0x33: {  	p0 =	seq.s32 s10, $0x1;
	s10 =	sld [smem:$0x3FAC];
	_ =	sdelay $0x3  }
0x34: {  	[smem:$0x3FAC] =	sst s10  }
0x35: {  	s10 =	sld [smem:$0x3FAB];
	_ =	sdelay $0x3  }
0x36: {  	p1 =	seq.s32 s10, $0x1;
	s10 =	sld [smem:$0x3FAC];
	_ =	sdelay $0x3  }
0x37: {  	[smem:$0x3FAC] =	sst s10  }
0x38: {  	s10 =	sld [smem:$0x3FAD]  }
0x39: {  	_ = 	snop;
	(pc) =	sbr.ind lr, $3  }
0x3a: {  	_ = 	snop  }
0x3b: {  	_ = 	snop  }
0x3c: {  	p2 =	seq.s32 s10, $0x1;
	s10 =	sld [smem:$0x3FAC]  }
0x3d: {  	_ =	shalt  }
0x3e: {  	_ =	shalt  }
0x3f: {  	_ =	shalt  }
0x40: {  	_ =	shalt  }
0x41: {  	_ =	shalt  }
0x42: {  	_ =	shalt  }
0x43: {  	_ =	shalt  }
0x44: {  	_ =	shalt  }
0x45: {  	_ =	shalt  }
0x46: {  	_ =	shalt  }
0x47: {  	_ =	shalt  }
0x48: {  	_ =	shalt  }
0x49: {  	_ =	shalt  }
0x4a: {  	_ =	shalt  }
0x4b: {  	_ =	shalt  }
0x4c: {  	_ =	shalt  }
0x4d: {  	_ =	shalt  }
0x4e: {  	_ =	shalt  }
0x4f: {  	_ =	shalt  }
0x50: {  	_ =	shalt  }
0x51: {  	_ =	shalt  }
0x52: {  	_ =	shalt  }
0x53: {  	_ =	shalt  }
0x54: {  	_ =	shalt  }
0x55: {  	_ =	shalt  }
0x56: {  	_ =	shalt  }
0x57: {  	_ =	shalt  }
0x58: {  	_ =	shalt  }
0x59: {  	_ =	shalt  }
0x5a: {  	_ =	shalt  }
0x5b: {  	_ =	shalt  }
0x5c: {  	_ =	shalt  }
0x5d: {  	_ =	shalt  }
0x5e: {  	_ =	shalt  }
0x5f: {  	_ =	shalt  }
0x60: {  	_ =	shalt  }
0x61: {  	_ =	shalt  }
0x62: {  	_ =	shalt  }
0x63: {  	_ =	shalt  }
0x64: {  	_ =	shalt  }
0x65: {  	_ =	shalt  }
0x66: {  	_ =	shalt  }
0x67: {  	_ =	shalt  }
0x68: {  	_ =	shalt  }
0x69: {  	_ =	shalt  }
0x6a: {  	_ =	shalt  }
0x6b: {  	_ =	shalt  }
0x6c: {  	_ =	shalt  }
0x6d: {  	_ =	shalt  }
0x6e: {  	_ =	shalt  }
0x6f: {  	_ =	shalt  }
0x70: {  	_ =	shalt  }
0x71: {  	_ =	shalt  }
0x72: {  	_ =	shalt  }
0x73: {  	_ =	shalt  }
0x74: {  	_ =	shalt  }
0x75: {  	_ =	shalt  }
0x76: {  	_ =	shalt  }
0x77: {  	_ =	shalt  }
0x78: {  	_ =	shalt  }
0x79: {  	_ =	shalt  }
0x7a: {  	_ =	shalt  }
0x7b: {  	_ =	shalt  }
0x7c: {  	_ =	shalt  }
0x7d: {  	_ =	shalt  }
0x7e: {  	_ =	shalt  }
0x7f: {  	_ =	shalt  }
0x80: {  	_ =	shalt  }
0x81: {  	_ =	shalt  }
0x82: {  	_ =	shalt  }
0x83: {  	_ =	shalt  }
0x84: {  	_ =	shalt  }
0x85: {  	_ =	shalt  }
0x86: {  	_ =	shalt  }
0x87: {  	_ =	shalt  }
.Lfunc_end0:
.L_simem_size_0:
called_computation.1_lowered:
.L_overlay_start_0:
0x88: {  	s2 =	sld [smem:$0x3FD9]  }
0x89: {  	s3 =	sld [smem:$0x3FFE];
	_ =	sdelay $0x1  }
0x8a: {  	s1 =	srdreg.scid  }
0x8b: {  	s0 =	sand.u32 $0x1, s1  }
0x8c: {  	s17 =	sshll.u32 s0, $0xA;
	s2 =	sadd.s32 s3, s2  }
0x8d: {  	s2 =	sadd.s32 s2, s17  }
0x8e: {  	[smem:$0x3FB8] =	sst s2  }
0x8f: {  	_ = 	snop  }
0x90: {  	s2 =	sld [smem:$0x3FD0];
	(tm) =	ssettm $0x1  }
0x91: {  	s18 =	sld [smem:$0x3FFB];
	_ =	sdelay $0x3  }
0x92: {  	_ =	strace s18  }
0x93: {  	s3 =	sld [smem:$0x3FFC];
	_ =	sdelay $0x3  }
0x94: {  	_ =	strace s3  }
0x95: {  	s3 =	sld [smem:$0x3FFD];
	_ =	sdelay $0x3  }
0x96: {  	_ =	strace s3  }
0x97: {  	_ =	strace $0x8FFFFFFF  }
0x98: {  	s19 =	sld [smem:$0x3FDB];
	_ =	sdelay $0x1  }
0x99: {  	s4 =	simm.s32 $_scs_section_size  }
0x9a: {  	s5 =	simm.s32 $_size__tile_overlayer_lowered;
	s6 =	simm.s32 $_tile_overlayer_lowered  }
0x9b: {  	s22 =	simm.s32 $0x1BFF;
	s21 =	sshll.u32 s6, $0x1;
	s3 =	sadd.s32 s4, s19  }
0x9c: {  	s7 =	simm.s32 $0x0;
	s20 =	sshll.u32 s5, $0x1;
	s5 =	sadd.s32 s21, s3  }
0x9d: {  	[timem:s7], [sflag:s22] =	dma.local [hbm:s5], s20  }
0x9e: {  	_ =	swait.ge [sflag:s22], s20  }
0x9f: {  	s4 =	ssub.s32 $0x0, s20;
	[sflag:s22] =	ssyncset.done $0x0  }
0xa0: {  	[sflag:s22] =	ssyncadd.s32 s4;
	_ =	sdelay $0x1  }
0xa1: {  	s23 =	simm.s32 $0x1B8B  }
0xa2: {  	_ =	swait.ge [sflag:s23], $0x1  }
0xa3: {  	[sflag:s23] =	ssyncset.done $0x0  }
0xa4: {  	s25 =	simm.s32 $0x1B8E;
	s24 =	sld [smem:$0x3FFE];
	[sflag:s23] =	ssyncadd.s32 $0xFFFFFFFF  }
0xa5: {  	s26 =	simm.s32 $execute0_lowered;
	[smem:$0x3FD2] =	sst s25  }
0xa6: {  	s5 =	sshll.u32 s26, $0x1;
	_ =	strace $0x80000049;
	[dreg:$0x1] =	wrdreg $0xFFFFFFFF  }
0xa7: {  	s28 =	simm.s32 $_size_execute0_lowered;
	s3 =	sadd.s32 s3, s5;
	[dreg:$0x0] =	wrdreg $0x0  }
0xa8: {  	s5 =	sshll.u32 s28, $0x1;
	[dreg:$0x2] =	wrdreg s3  }
0xa9: {  	[dreg:$0x3] =	wrdreg s5  }
0xaa: {  	[dreg:$0x4] =	wrdreg $0xC0  }
0xab: {  	_ =	task [dreg:s7], $0x5FFFF  }
0xac: {  	[dreg:$0x1] =	wrdreg $0xFFFFFFFF  }
0xad: {  	[dreg:$0x0] =	wrdreg $0x60  }
0xae: {  	[dreg:$0x2] =	wrdreg s24  }
0xaf: {  	[dreg:$0x3] =	wrdreg s2  }
0xb0: {  	[dreg:$0x4] =	wrdreg $0xC6200  }
0xb1: {  	[dreg:$0x5] =	wrdreg $0x9  }
0xb2: {  	_ =	task.clear_ibuf [dreg:s7], $0x6FFFF;
	_ =	strace $0x90000049  }
0xb3: {  	s29 =	simm.s32 $0x9;
	_ =	strace $0x8000004B  }
0xb4: {  	_ =	swait.ge [sflag:s29], $0x1  }
0xb5: {  	[sflag:s29] =	ssyncadd.s32 $0xFFFFFFFF  }
0xb6: {  	_ =	strace $0x9000004B  }
0xb7: {  	_ =	sfence  }
0xb8: {  	s30 =	sld [smem:$0x0];
	_ =	sdelay $0x2  }
0xb9: {  	s31 =	sshll.u32 s1, $0xD;
	s1 =	sshrl.u32 s1, $0x2  }
0xba: {  	s3 =	sand.u32 $0x4000, s31;
	s1 =	sadd.s32 s1, s30  }
0xbb: {  	s0 =	sor.u32 s3, s0;
	s1 =	sshll.u32 s1, $0x11  }
0xbc: {  	s0 =	sor.u32 s1, s0  }
0xbd: {  	s0 =	sadd.s32 $0x8F2B, s0  }
0xbe: {  	[sflag:s0] =	ssyncadd.remote.s32 $0x1  }
0xbf: {  	_ =	sfence.sel $0xFFFF  }
0xc0: {  	[dreg:$0x0] =	wrdreg $0xFFFFFFFF;
	(pc) =	sbr.abs _section_cstart, $3  }
0xc1: {  	[dreg:$0x1] =	wrdreg $0xFFFFFFFF  }
0xc2: {  	_ =	task.clear_ibuf [dreg:s7], $0x2FFFF;
	_ =	strace $0x9FFFFFFF  }
0xc3: {  	(tm) =	ssettm $0x7FFFFFFF  }
tec
execute0_lowered:
.L_overlay_start_1:
0x0: {  	(tag) =	ssettag $0x1  }
0x1: {  	s6 =	rddreg [dreg:$0x0]  }
0x2: {  	s2 =	rddreg [dreg:$0x1]  }
0x3: {  	s3 =	rddreg [dreg:$0x2]  }
0x4: {  	s0 =	rddreg [dreg:$0x3];
	s5 =	srdreg.scid  }
0x5: {  	s1 =	stileid.u32;
	s4 =	simm.s32 $0x0;
	s14 =	simm.s32 $0x50  }
0x6: {  	s15 =	simm.s32 $0x4E20;
	s16 =	simm.s32 $0x7620;
	s17 =	simm.s32 $0x1  }
0x7: {  	s18 =	simm.s32 $0x9E20;
	s19 =	simm.s32 $0x4D80;
	s20 =	simm.s32 $0x4DD0  }
0x8: {  	s21 =	simm.s32 $0x0;
	s5 =	sand.u32 $0x1, s5;
	s8 =	smul.u32 $0x13880, s1  }
0x9: {  	[smem:$0x7FF] =	sst s4;
	s7 =	sshll.u32 s1, $0x1;
	s12 =	sshll.u32 s1, $0x6  }
0xa: {  	s9 =	smul.u32 $0x138800, s5;
	_ =	strace $0x8000004A;
	s7 =	sor.u32 s5, s7  }
0xb: {  	s10 =	ssub.s32 $0x2, s5;
	s5 =	sadd.s32 $0x17A00, s6;
	s12 =	sor.u32 $0x1C02, s12  }
0xc: {  	s7 =	smul.u32 $0x4E2, s7;
	s11 =	sshrl.u32 s10, $0x1;
	s13 =	sadd.s32 s8, s3  }
0xd: {  	s9 =	sadd.s32 s8, s9;
	s10 =	ssub.s32 s10, s11;
	s11 =	simm.s32 $0x2710  }
0xe: {  	s13 =	sshrl.u32 s13, $0x3;
	s9 =	sshrl.u32 s9, $0x3;
	s7 =	sadd.s32 s7, s6  }
0xf: {  	s9 =	sadd.s32 s9, s6;
	s6 =	sadd.s32 $0x3E00, s7;
	s7 =	sadd.s32 $0xDC00, s7  }
0x10: {  	s8 =	sadd.s32 $0x3EC00, s9;
	s9 =	smax.u32 s10, $0x1;
	s10 =	simm.s32 $0x2  }
.LBB2_1:
0x11: {  	[tilespmem:s4], [sflag:$0x2] =	stream.linear.gather [hbm4b:s6+s4], $0x2710, $0x38;
	[tilespmem:$0x1FEA0] =	vst v63  }
0x12: {  	_ =	swait.ge [sflag:s10], $0x2710  }
0x13: {  	[sflag:s10] =	ssyncset.done $0x0  }
0x14: {  	[sflag:s10] =	ssyncadd.s32 $0xFFFFD8F0  }
0x15: {  	[tilespmem:s11], [sflag:$0x2] =	stream.linear.gather [hbm4b:s7+s4], $0x2710, $0x38;
	[tilespmem:$0x1FEA0] =	vst v63  }
0x16: {  	_ =	swait.ge [sflag:s10], $0x2710  }
0x17: {  	[sflag:s10] =	ssyncset.done $0x0  }
0x18: {  	[sflag:s10] =	ssyncadd.s32 $0xFFFFD8F0  }
0x19: {  	[spmem:s13], [sflag:s12] =	dma.local [hbm:s2], $0x2710  }
0x1a: {  	_ =	swait.ge [sflag:s10], $0x2710  }
0x1b: {  	[sflag:s10] =	ssyncset.done $0x0  }
0x1c: {  	[sflag:s10] =	ssyncadd.s32 $0xFFFFD8F0  }
0x1d: {  	[bflag:$0x0] =	sbarrier.arrive $0xFFFF  }
0x1e: {  	[tilespmem:s15], [sflag:$0x1] =	stream.indirect.gather [hbm4b:s5+s14], $0x80, s4, s14, $0xb8;
	[tilespmem:$0x1FEA0] =	vst v63  }
0x1f: {  	_ = 	snop  }
0x20: {  	[tilespmem:s16], [sflag:$0x1] =	stream.indirect.gather [hbm4b:s5+s14], $0x80, s14, s14, $0xb8;
	[tilespmem:$0x1FEA0] =	vst v63  }
0x21: {  	_ =	swait.ge [sflag:s17], $0x2800  }
0x22: {  	[sflag:s17] =	ssyncset.done $0x0  }
0x23: {  	s22 =	simm.s32 $0xA0;
	[sflag:s17] =	ssyncadd.s32 $0xFFFFD800  }
0x24: {  	[tilespmem:s18], [sflag:$0x1] =	stream.indirect.gather [hbm4b:s5+s14], $0x80, s22, s14, $0xb8;
	[tilespmem:$0x1FEA0] =	vst v63  }
0x25: {  	s26 =	simm.s32 $0x2710  }
0x26: {  	[spmem:s3] =	stream.indirect.scatter.add.f32 [tilespmem:s15], [sflag:$0x2], $0x80, s26, s14, $0xb8;
	[tilespmem:$0x1FEA0] =	vst v63  }
0x27: {  	_ =	swait.ge [sflag:s10], $0x2800  }
0x28: {  	[sflag:s10] =	ssyncset.done $0x0  }
0x29: {  	[sflag:s10] =	ssyncadd.s32 $0xFFFFD800  }
0x2a: {  	_ =	swait.ge [sflag:s17], $0x2800  }
0x2b: {  	[sflag:s17] =	ssyncset.done $0x0  }
0x2c: {  	s28 =	simm.s32 $0xF0;
	[sflag:s17] =	ssyncadd.s32 $0xFFFFD800  }
0x2d: {  	[tilespmem:s15], [sflag:$0x1] =	stream.indirect.gather [hbm4b:s5+s14], $0x80, s28, s14, $0xb8;
	[tilespmem:$0x1FEA0] =	vst v63  }
0x2e: {  	s29 =	simm.s32 $0x2760  }
0x2f: {  	[spmem:s3] =	stream.indirect.scatter.add.f32 [tilespmem:s16], [sflag:$0x2], $0x80, s29, s14, $0xb8;
	[tilespmem:$0x1FEA0] =	vst v63  }
0x30: {  	_ =	swait.ge [sflag:s10], $0x2800  }
0x31: {  	[sflag:s10] =	ssyncset.done $0x0  }
0x32: {  	[sflag:s10] =	ssyncadd.s32 $0xFFFFD800  }
0x33: {  	_ =	swait.ge [sflag:s17], $0x2800  }
0x34: {  	[sflag:s17] =	ssyncset.done $0x0  }
0x35: {  	s30 =	simm.s32 $0x140;
	[sflag:s17] =	ssyncadd.s32 $0xFFFFD800  }
0x36: {  	[tilespmem:s16], [sflag:$0x1] =	stream.indirect.gather [hbm4b:s5+s14], $0x80, s30, s14, $0xb8;
	[tilespmem:$0x1FEA0] =	vst v63  }
0x37: {  	s31 =	simm.s32 $0x27B0  }
0x38: {  	[spmem:s3] =	stream.indirect.scatter.add.f32 [tilespmem:s18], [sflag:$0x2], $0x80, s31, s14, $0xb8;
	[tilespmem:$0x1FEA0] =	vst v63  }
0x39: {  	_ =	swait.ge [sflag:s10], $0x2800  }
0x3a: {  	s22 =	simm.s32 $0x3C0;
	[sflag:s10] =	ssyncset.done $0x0  }
.LBB2_2:
0x3b: {  	p0 =	sne.s32 s22, $0x9600  }
0x3c: {  	[sflag:s10] =	ssyncadd.s32 $0xFFFFD800;
	s23 =	smov.u32 s22;
	s22 =	sadd.s32 $0x3C0, s22  }
0x3d: {  	_ = 	snop  }
0x3e: {  	_ =	swait.ge [sflag:s17], $0x2800  }
0x3f: {  	s23 =	sshra.s32 s23, $0x2;
	[sflag:s17] =	ssyncset.done $0x0  }
0x40: {  	s24 =	sadd.s32 $0xA0, s23;
	[sflag:s17] =	ssyncadd.s32 $0xFFFFD800  }
0x41: {  	[tilespmem:s18], [sflag:$0x1] =	stream.indirect.gather [hbm4b:s5+s14], $0x80, s24, s14, $0xb8;
	[tilespmem:$0x1FEA0] =	vst v63  }
0x42: {  	s24 =	sadd.s32 $0x2710, s23  }
0x43: {  	[spmem:s3] =	stream.indirect.scatter.add.f32 [tilespmem:s15], [sflag:$0x2], $0x80, s24, s14, $0xb8;
	[tilespmem:$0x1FEA0] =	vst v63  }
0x44: {  	_ =	swait.ge [sflag:s10], $0x2800  }
0x45: {  	[sflag:s10] =	ssyncset.done $0x0  }
0x46: {  	[sflag:s10] =	ssyncadd.s32 $0xFFFFD800  }
0x47: {  	_ =	swait.ge [sflag:s17], $0x2800  }
0x48: {  	[sflag:s17] =	ssyncset.done $0x0  }
0x49: {  	s24 =	sadd.s32 $0xF0, s23;
	[sflag:s17] =	ssyncadd.s32 $0xFFFFD800  }
0x4a: {  	[tilespmem:s15], [sflag:$0x1] =	stream.indirect.gather [hbm4b:s5+s14], $0x80, s24, s14, $0xb8;
	[tilespmem:$0x1FEA0] =	vst v63  }
0x4b: {  	s24 =	sadd.s32 $0x2760, s23  }
0x4c: {  	[spmem:s3] =	stream.indirect.scatter.add.f32 [tilespmem:s16], [sflag:$0x2], $0x80, s24, s14, $0xb8;
	[tilespmem:$0x1FEA0] =	vst v63  }
0x4d: {  	_ =	swait.ge [sflag:s10], $0x2800  }
0x4e: {  	[sflag:s10] =	ssyncset.done $0x0  }
0x4f: {  	[sflag:s10] =	ssyncadd.s32 $0xFFFFD800  }
0x50: {  	_ =	swait.ge [sflag:s17], $0x2800  }
0x51: {  	[sflag:s17] =	ssyncset.done $0x0  }
0x52: {  	s24 =	sadd.s32 $0x140, s23;
	[sflag:s17] =	ssyncadd.s32 $0xFFFFD800  }
0x53: {  	[tilespmem:s16], [sflag:$0x1] =	stream.indirect.gather [hbm4b:s5+s14], $0x80, s24, s14, $0xb8;
	[tilespmem:$0x1FEA0] =	vst v63  }
.Ltmp0:
0x54: {  	_ = 	snop;
	(pc) =	sbr.rel @p0 .LBB2_2-.Ltmp0, $4  }
0x55: {  	s23 =	sadd.s32 $0x27B0, s23  }
0x56: {  	[spmem:s3] =	stream.indirect.scatter.add.f32 [tilespmem:s18], [sflag:$0x2], $0x80, s23, s14, $0xb8;
	[tilespmem:$0x1FEA0] =	vst v63  }
0x57: {  	_ =	swait.ge [sflag:s10], $0x2800  }
0x58: {  	[sflag:s10] =	ssyncset.done $0x0  }
0x59: {  	[sflag:s10] =	ssyncadd.s32 $0xFFFFD800  }
0x5a: {  	_ =	swait.ge [sflag:s17], $0x2800  }
0x5b: {  	[sflag:s17] =	ssyncset.done $0x0  }
0x5c: {  	[sflag:s17] =	ssyncadd.s32 $0xFFFFD800  }
0x5d: {  	[spmem:s3] =	stream.indirect.scatter.add.f32 [tilespmem:s15], [sflag:$0x2], $0x80, s19, s14, $0xb8;
	[tilespmem:$0x1FEA0] =	vst v63  }
0x5e: {  	_ =	swait.ge [sflag:s10], $0x2800  }
0x5f: {  	[sflag:s10] =	ssyncset.done $0x0  }
0x60: {  	[sflag:s10] =	ssyncadd.s32 $0xFFFFD800  }
0x61: {  	_ =	swait.ge [sflag:s17], $0x2800  }
0x62: {  	[sflag:s17] =	ssyncset.done $0x0  }
0x63: {  	[sflag:s17] =	ssyncadd.s32 $0xFFFFD800  }
0x64: {  	[spmem:s3] =	stream.indirect.scatter.add.f32 [tilespmem:s16], [sflag:$0x2], $0x80, s20, s14, $0xb8;
	[tilespmem:$0x1FEA0] =	vst v63  }
0x65: {  	_ =	swait.ge [sflag:s10], $0x2800  }
0x66: {  	s21 =	sadd.s32 $0x1, s21;
	[sflag:s10] =	ssyncset.done $0x0  }
0x67: {  	p0 =	sne.s32 s21, s9;
	[sflag:s10] =	ssyncadd.s32 $0xFFFFD800  }
.Ltmp1:
0x68: {  	[bflag:$0x0] =	sbarrier.arrive $0xFFFF;
	(pc) =	sbr.rel @p0 .LBB2_1-.Ltmp1, $4  }
0x69: {  	[hbm:s8], [sflag:s12] =	dma.local [spmem:s13], $0x2710  }
0x6a: {  	_ =	swait.ge [sflag:s10], $0x2710  }
0x6b: {  	[sflag:s10] =	ssyncset.done $0x0  }
0x6c: {  	[sflag:s10] =	ssyncadd.s32 $0xFFFFD8F0  }
0x6d: {  	_ =	sfence.sel $0x180000  }
0x6e: {  	[bflag:$0x0] =	sbarrier.arrive $0xFFFF  }
0x6f: {  	p0 =	sne.s32 s1, $0x0;
	_ =	strace $0x9000004A  }
0x70: {  	s0 =	sadd.s32 @!p0 $0x100000, s0;
	[bflag:$0x2] =	sbarrier.arrive $0xFFFF  }
0x71: {  	[sflag:s0] =	ssyncadd.tile.s32 @!p0 $0x1;
	_ =	shalt  }
.Lfunc_end2:
_tile_overlayer_lowered:
.L_overlay_start_2:
0x72: {  	(tag) =	ssettag $0x2  }
0x73: {  	s0 =	rddreg [dreg:$0x0];
	s2 =	stileid.u32  }
0x74: {  	s1 =	rddreg [dreg:$0x1];
	p0 =	sne.s32 s2, $0x0  }
0x75: {  	s3 =	rddreg [dreg:$0x2];
	[bflag:$0x3] =	sbarrier.arrive $0xFFFF;
	s2 =	simm.s32 @!p0 $0x1C02  }
0x76: {  	[timem:s3], [sflag:s2] =	dma.local @!p0 [hbm:s0], s1  }
0x77: {  	s0 =	simm.s32 @!p0 $0x2  }
0x78: {  	_ =	swait.ge @!p0 [sflag:s0], s1  }
0x79: {  	s1 =	ssub.s32 @!p0 $0x0, s1;
	[sflag:s0] =	ssyncset.done @!p0 $0x0  }
0x7a: {  	[sflag:s0] =	ssyncadd.s32 @!p0 s1  }
0x7b: {  	[bflag:$0x3] =	sbarrier.arrive $0xFFFF  }
0x7c: {  	_ =	shalt  }

// kernel: kernel.14.cloned.1.call-start
scs
__scs_entry_jumppad:
0x0: {  	(pc) =	sbr.rel $0x88, $3  }
0x1: {  	(tag) =	ssettag $0x0;
	lr =	simm.s32 $0x1  }
0x2: {  	[smem:$0x3F91] =	sst lr;
	_ =	strace $0xD0000000  }
0x3: {  	_ = 	snop  }
0x4: {  	_ = 	snop  }
0x5: {  	_ = 	snop  }
0x6: {  	_ = 	snop  }
0x7: {  	_ = 	snop  }
__scs_overlays_trampoline_lowered:
0x8: {  	[smem:$0x3FA0] =	sst s0  }
0x9: {  	[smem:$0x3FA1] =	sst s1  }
0xa: {  	[smem:$0x3FA2] =	sst s2  }
0xb: {  	[smem:$0x3FA3] =	sst s3  }
0xc: {  	[smem:$0x3FA4] =	sst s4  }
0xd: {  	[smem:$0x3FA5] =	sst s5  }
0xe: {  	[smem:$0x3FA6] =	sst s6  }
0xf: {  	[smem:$0x3FA7] =	sst s7  }
0x10: {  	[smem:$0x3FA8] =	sst s8  }
0x11: {  	[smem:$0x3FA9] =	sst s9;
	s0 =	simm.s32 @!p0 $0x0  }
0x12: {  	s1 =	sld [smem:$0x3F8F];
	s0 =	simm.s32 @p0 $0x1  }
0x13: {  	[smem:$0x3FAA] =	sst s0;
	s0 =	simm.s32 @!p1 $0x0  }
0x14: {  	s2 =	sld [smem:$0x3F8E];
	s0 =	simm.s32 @p1 $0x1  }
0x15: {  	[smem:$0x3FAB] =	sst s0;
	s0 =	simm.s32 @!p2 $0x0  }
0x16: {  	s3 =	sld [smem:$0x3FDB];
	s0 =	simm.s32 @p2 $0x1  }
0x17: {  	s4 =	simm.s32 $0x1BF5;
	[smem:$0x3FAD] =	sst s0  }
0x18: {  	s0 =	sld [smem:$0x3F90];
	_ =	swait.ge [sflag:s4], $0x0  }
0x19: {  	s7 =	sld [smem:$0x3F91]  }
0x1a: {  	s8 =	sadd.s32 $0xFFFFE003, lr  }
0x1b: {  	s9 =	sadd.s32 $0xFFFFFEF7, lr;
	s5 =	simm.s32 $0xFFFFFFFF;
	p2 =	slt.u32 s8, $0xFFFFF086  }
0x1c: {  	p1 =	slt.u32 s9, $0xF7A;
	s5 =	simm.s32 @!p2 $0x0  }
0x1d: {  	s5 =	simm.s32 @p1 $0x1;
	p0 =	seq.s32 s7, s2  }
0x1e: {  	s7 =	smul.u32 @!p0 $0xF7A, s2;
	p2 =	seq.s32 @!p0 s5, $0x0  }
0x1f: {  	s9 =	smul.u32 $0xF7A, s1;
	s8 =	simm.s32 @!p0 $0x1BF5;
	p2 =	por !p2, p0  }
0x20: {  	[sflag:s8] =	ssyncset.s32 @!p0 $0xFFFFF086;
	s6 =	sadd.s32 @!p0 s3, s7;
	s7 =	simm.s32 @!p0 $0x108  }
0x21: {  	s3 =	sadd.s32 s3, s9;
	s6 =	sadd.s32 @!p0 $0x88, s6;
	s7 =	simm.s32 @p2 $0x1082  }
0x22: {  	[simem:s7], [sflag:s8] =	dma.local @!p0 [hbm:s6], $0xF7A  }
0x23: {  	s9 =	sor.u32 $0xD0000000, s2;
	s6 =	simm.s32 $0x108;
	_ =	swait.ge @!p0 [sflag:s8], $0x0  }
0x24: {  	s3 =	sadd.s32 $0x88, s3;
	s6 =	simm.s32 @!p1 $0x1082;
	[sflag:s4] =	ssyncset.s32 $0xFFFFF086  }
0x25: {  	[simem:s6], [sflag:s4] =	dma.local [hbm:s3], $0xF7A  }
0x26: {  	[smem:$0x3F91] =	sst s1;
	(tag) =	ssettag s2;
	_ =	strace s9  }
0x27: {  	s1 =	sld [smem:$0x3FA1]  }
0x28: {  	s2 =	sld [smem:$0x3FA2]  }
0x29: {  	s4 =	sld [smem:$0x3FA4]  }
0x2a: {  	p0 =	seq.s32 s5, $0x0;
	s5 =	sld [smem:$0x3FA5]  }
0x2b: {  	s6 =	sld [smem:$0x3FA6]  }
0x2c: {  	s7 =	sld [smem:$0x3FA7]  }
0x2d: {  	s3 =	simm.s32 $0x108;
	s8 =	sld [smem:$0x3FA8]  }
0x2e: {  	s3 =	simm.s32 @!p0 $0x1082;
	s9 =	sld [smem:$0x3FA9]  }
0x2f: {  	lr =	sadd.s32 s0, s3;
	s0 =	sld [smem:$0x3FA0]  }
0x30: {  	s3 =	sld [smem:$0x3FA3]  }
0x31: {  	[smem:$0x3FAC] =	sst s10  }
0x32: {  	s10 =	sld [smem:$0x3FAA];
	_ =	sdelay $0x3  }
0x33: {  	p0 =	seq.s32 s10, $0x1;
	s10 =	sld [smem:$0x3FAC];
	_ =	sdelay $0x3  }
0x34: {  	[smem:$0x3FAC] =	sst s10  }
0x35: {  	s10 =	sld [smem:$0x3FAB];
	_ =	sdelay $0x3  }
0x36: {  	p1 =	seq.s32 s10, $0x1;
	s10 =	sld [smem:$0x3FAC];
	_ =	sdelay $0x3  }
0x37: {  	[smem:$0x3FAC] =	sst s10  }
0x38: {  	s10 =	sld [smem:$0x3FAD]  }
0x39: {  	_ = 	snop;
	(pc) =	sbr.ind lr, $3  }
0x3a: {  	_ = 	snop  }
0x3b: {  	_ = 	snop  }
0x3c: {  	p2 =	seq.s32 s10, $0x1;
	s10 =	sld [smem:$0x3FAC]  }
0x3d: {  	_ =	shalt  }
0x3e: {  	_ =	shalt  }
0x3f: {  	_ =	shalt  }
0x40: {  	_ =	shalt  }
0x41: {  	_ =	shalt  }
0x42: {  	_ =	shalt  }
0x43: {  	_ =	shalt  }
0x44: {  	_ =	shalt  }
0x45: {  	_ =	shalt  }
0x46: {  	_ =	shalt  }
0x47: {  	_ =	shalt  }
0x48: {  	_ =	shalt  }
0x49: {  	_ =	shalt  }
0x4a: {  	_ =	shalt  }
0x4b: {  	_ =	shalt  }
0x4c: {  	_ =	shalt  }
0x4d: {  	_ =	shalt  }
0x4e: {  	_ =	shalt  }
0x4f: {  	_ =	shalt  }
0x50: {  	_ =	shalt  }
0x51: {  	_ =	shalt  }
0x52: {  	_ =	shalt  }
0x53: {  	_ =	shalt  }
0x54: {  	_ =	shalt  }
0x55: {  	_ =	shalt  }
0x56: {  	_ =	shalt  }
0x57: {  	_ =	shalt  }
0x58: {  	_ =	shalt  }
0x59: {  	_ =	shalt  }
0x5a: {  	_ =	shalt  }
0x5b: {  	_ =	shalt  }
0x5c: {  	_ =	shalt  }
0x5d: {  	_ =	shalt  }
0x5e: {  	_ =	shalt  }
0x5f: {  	_ =	shalt  }
0x60: {  	_ =	shalt  }
0x61: {  	_ =	shalt  }
0x62: {  	_ =	shalt  }
0x63: {  	_ =	shalt  }
0x64: {  	_ =	shalt  }
0x65: {  	_ =	shalt  }
0x66: {  	_ =	shalt  }
0x67: {  	_ =	shalt  }
0x68: {  	_ =	shalt  }
0x69: {  	_ =	shalt  }
0x6a: {  	_ =	shalt  }
0x6b: {  	_ =	shalt  }
0x6c: {  	_ =	shalt  }
0x6d: {  	_ =	shalt  }
0x6e: {  	_ =	shalt  }
0x6f: {  	_ =	shalt  }
0x70: {  	_ =	shalt  }
0x71: {  	_ =	shalt  }
0x72: {  	_ =	shalt  }
0x73: {  	_ =	shalt  }
0x74: {  	_ =	shalt  }
0x75: {  	_ =	shalt  }
0x76: {  	_ =	shalt  }
0x77: {  	_ =	shalt  }
0x78: {  	_ =	shalt  }
0x79: {  	_ =	shalt  }
0x7a: {  	_ =	shalt  }
0x7b: {  	_ =	shalt  }
0x7c: {  	_ =	shalt  }
0x7d: {  	_ =	shalt  }
0x7e: {  	_ =	shalt  }
0x7f: {  	_ =	shalt  }
0x80: {  	_ =	shalt  }
0x81: {  	_ =	shalt  }
0x82: {  	_ =	shalt  }
0x83: {  	_ =	shalt  }
0x84: {  	_ =	shalt  }
0x85: {  	_ =	shalt  }
0x86: {  	_ =	shalt  }
0x87: {  	_ =	shalt  }
.Lfunc_end0:
.L_simem_size_0:
called_computation.2_lowered:
.L_overlay_start_0:
0x88: {  	s2 =	sld [smem:$0x3FD9]  }
0x89: {  	s3 =	sld [smem:$0x3FFE];
	_ =	sdelay $0x1  }
0x8a: {  	s1 =	srdreg.scid  }
0x8b: {  	s0 =	sand.u32 $0x1, s1  }
0x8c: {  	s17 =	sshll.u32 s0, $0xA;
	s2 =	sadd.s32 s3, s2  }
0x8d: {  	s2 =	sadd.s32 s2, s17  }
0x8e: {  	[smem:$0x3FB8] =	sst s2  }
0x8f: {  	_ = 	snop  }
0x90: {  	s2 =	sld [smem:$0x3FD0];
	(tm) =	ssettm $0x1  }
0x91: {  	s18 =	sld [smem:$0x3FFB];
	_ =	sdelay $0x3  }
0x92: {  	_ =	strace s18  }
0x93: {  	s3 =	sld [smem:$0x3FFC];
	_ =	sdelay $0x3  }
0x94: {  	_ =	strace s3  }
0x95: {  	s3 =	sld [smem:$0x3FFD];
	_ =	sdelay $0x3  }
0x96: {  	_ =	strace s3  }
0x97: {  	_ =	strace $0x8FFFFFFF  }
0x98: {  	s19 =	sld [smem:$0x3FDB];
	_ =	sdelay $0x1  }
0x99: {  	s4 =	simm.s32 $_scs_section_size  }
0x9a: {  	s5 =	simm.s32 $_size__tile_overlayer_lowered;
	s6 =	simm.s32 $_tile_overlayer_lowered  }
0x9b: {  	s22 =	simm.s32 $0x1BFF;
	s21 =	sshll.u32 s6, $0x1;
	s3 =	sadd.s32 s4, s19  }
0x9c: {  	s7 =	simm.s32 $0x0;
	s20 =	sshll.u32 s5, $0x1;
	s5 =	sadd.s32 s21, s3  }
0x9d: {  	[timem:s7], [sflag:s22] =	dma.local [hbm:s5], s20  }
0x9e: {  	_ =	swait.ge [sflag:s22], s20  }
0x9f: {  	s4 =	ssub.s32 $0x0, s20;
	[sflag:s22] =	ssyncset.done $0x0  }
0xa0: {  	[sflag:s22] =	ssyncadd.s32 s4;
	_ =	sdelay $0x1  }
0xa1: {  	s23 =	simm.s32 $0x1B8B  }
0xa2: {  	_ =	swait.ge [sflag:s23], $0x1  }
0xa3: {  	[sflag:s23] =	ssyncset.done $0x0  }
0xa4: {  	s25 =	simm.s32 $0x1B8E;
	s24 =	sld [smem:$0x3FFE];
	[sflag:s23] =	ssyncadd.s32 $0xFFFFFFFF  }
0xa5: {  	s26 =	simm.s32 $execute0_lowered;
	[smem:$0x3FD2] =	sst s25  }
0xa6: {  	s5 =	sshll.u32 s26, $0x1;
	_ =	strace $0x8000004C;
	[dreg:$0x1] =	wrdreg $0xFFFFFFFF  }
0xa7: {  	s28 =	simm.s32 $_size_execute0_lowered;
	s3 =	sadd.s32 s3, s5;
	[dreg:$0x0] =	wrdreg $0x0  }
0xa8: {  	s5 =	sshll.u32 s28, $0x1;
	[dreg:$0x2] =	wrdreg s3  }
0xa9: {  	[dreg:$0x3] =	wrdreg s5  }
0xaa: {  	[dreg:$0x4] =	wrdreg $0xC0  }
0xab: {  	_ =	task [dreg:s7], $0x5FFFF  }
0xac: {  	[dreg:$0x1] =	wrdreg $0xFFFFFFFF  }
0xad: {  	[dreg:$0x0] =	wrdreg $0x60  }
0xae: {  	[dreg:$0x2] =	wrdreg s24  }
0xaf: {  	[dreg:$0x3] =	wrdreg s2  }
0xb0: {  	[dreg:$0x4] =	wrdreg $0xC6200  }
0xb1: {  	[dreg:$0x5] =	wrdreg $0x9  }
0xb2: {  	_ =	task.clear_ibuf [dreg:s7], $0x6FFFF;
	_ =	strace $0x9000004C  }
0xb3: {  	s29 =	simm.s32 $0x9;
	_ =	strace $0x8000004E  }
0xb4: {  	_ =	swait.ge [sflag:s29], $0x1  }
0xb5: {  	[sflag:s29] =	ssyncadd.s32 $0xFFFFFFFF  }
0xb6: {  	_ =	strace $0x9000004E  }
0xb7: {  	_ =	sfence  }
0xb8: {  	s30 =	sld [smem:$0x0];
	_ =	sdelay $0x2  }
0xb9: {  	s31 =	sshll.u32 s1, $0xD;
	s1 =	sshrl.u32 s1, $0x2  }
0xba: {  	s3 =	sand.u32 $0x4000, s31;
	s1 =	sadd.s32 s1, s30  }
0xbb: {  	s0 =	sor.u32 s3, s0;
	s1 =	sshll.u32 s1, $0x11  }
0xbc: {  	s0 =	sor.u32 s1, s0  }
0xbd: {  	s0 =	sadd.s32 $0x8F2B, s0  }
0xbe: {  	[sflag:s0] =	ssyncadd.remote.s32 $0x1  }
0xbf: {  	_ =	sfence.sel $0xFFFF  }
0xc0: {  	[dreg:$0x0] =	wrdreg $0xFFFFFFFF;
	(pc) =	sbr.abs _section_cstart, $3  }
0xc1: {  	[dreg:$0x1] =	wrdreg $0xFFFFFFFF  }
0xc2: {  	_ =	task.clear_ibuf [dreg:s7], $0x2FFFF;
	_ =	strace $0x9FFFFFFF  }
0xc3: {  	(tm) =	ssettm $0x7FFFFFFF  }
tec
execute0_lowered:
.L_overlay_start_1:
0x0: {  	(tag) =	ssettag $0x1  }
0x1: {  	s6 =	rddreg [dreg:$0x0]  }
0x2: {  	s2 =	rddreg [dreg:$0x1]  }
0x3: {  	s3 =	rddreg [dreg:$0x2]  }
0x4: {  	s0 =	rddreg [dreg:$0x3];
	s5 =	srdreg.scid  }
0x5: {  	s1 =	stileid.u32;
	s4 =	simm.s32 $0x0;
	s14 =	simm.s32 $0x50  }
0x6: {  	s15 =	simm.s32 $0x4E20;
	s16 =	simm.s32 $0x7620;
	s17 =	simm.s32 $0x1  }
0x7: {  	s18 =	simm.s32 $0x9E20;
	s19 =	simm.s32 $0x4D80;
	s20 =	simm.s32 $0x4DD0  }
0x8: {  	s21 =	simm.s32 $0x0;
	s5 =	sand.u32 $0x1, s5;
	s8 =	smul.u32 $0x13880, s1  }
0x9: {  	[smem:$0x7FF] =	sst s4;
	s7 =	sshll.u32 s1, $0x1;
	s12 =	sshll.u32 s1, $0x6  }
0xa: {  	s9 =	smul.u32 $0x138800, s5;
	_ =	strace $0x8000004D;
	s7 =	sor.u32 s5, s7  }
0xb: {  	s10 =	ssub.s32 $0x2, s5;
	s5 =	sadd.s32 $0x17A00, s6;
	s12 =	sor.u32 $0x1C02, s12  }
0xc: {  	s7 =	smul.u32 $0x4E2, s7;
	s11 =	sshrl.u32 s10, $0x1;
	s13 =	sadd.s32 s8, s3  }
0xd: {  	s9 =	sadd.s32 s8, s9;
	s10 =	ssub.s32 s10, s11;
	s11 =	simm.s32 $0x2710  }
0xe: {  	s13 =	sshrl.u32 s13, $0x3;
	s9 =	sshrl.u32 s9, $0x3;
	s7 =	sadd.s32 s7, s6  }
0xf: {  	s9 =	sadd.s32 s9, s6;
	s6 =	sadd.s32 $0x3E00, s7;
	s7 =	sadd.s32 $0xDC00, s7  }
0x10: {  	s8 =	sadd.s32 $0x3EC00, s9;
	s9 =	smax.u32 s10, $0x1;
	s10 =	simm.s32 $0x2  }
.LBB2_1:
0x11: {  	[tilespmem:s4], [sflag:$0x2] =	stream.linear.gather [hbm4b:s6+s4], $0x2710, $0x38;
	[tilespmem:$0x1FEA0] =	vst v63  }
0x12: {  	_ =	swait.ge [sflag:s10], $0x2710  }
0x13: {  	[sflag:s10] =	ssyncset.done $0x0  }
0x14: {  	[sflag:s10] =	ssyncadd.s32 $0xFFFFD8F0  }
0x15: {  	[tilespmem:s11], [sflag:$0x2] =	stream.linear.gather [hbm4b:s7+s4], $0x2710, $0x38;
	[tilespmem:$0x1FEA0] =	vst v63  }
0x16: {  	_ =	swait.ge [sflag:s10], $0x2710  }
0x17: {  	[sflag:s10] =	ssyncset.done $0x0  }
0x18: {  	[sflag:s10] =	ssyncadd.s32 $0xFFFFD8F0  }
0x19: {  	[spmem:s13], [sflag:s12] =	dma.local [hbm:s2], $0x2710  }
0x1a: {  	_ =	swait.ge [sflag:s10], $0x2710  }
0x1b: {  	[sflag:s10] =	ssyncset.done $0x0  }
0x1c: {  	[sflag:s10] =	ssyncadd.s32 $0xFFFFD8F0  }
0x1d: {  	[bflag:$0x0] =	sbarrier.arrive $0xFFFF  }
0x1e: {  	[tilespmem:s15], [sflag:$0x1] =	stream.indirect.gather [hbm4b:s5+s14], $0x80, s4, s14, $0xb8;
	[tilespmem:$0x1FEA0] =	vst v63  }
0x1f: {  	_ = 	snop  }
0x20: {  	[tilespmem:s16], [sflag:$0x1] =	stream.indirect.gather [hbm4b:s5+s14], $0x80, s14, s14, $0xb8;
	[tilespmem:$0x1FEA0] =	vst v63  }
0x21: {  	_ =	swait.ge [sflag:s17], $0x2800  }
0x22: {  	[sflag:s17] =	ssyncset.done $0x0  }
0x23: {  	s22 =	simm.s32 $0xA0;
	[sflag:s17] =	ssyncadd.s32 $0xFFFFD800  }
0x24: {  	[tilespmem:s18], [sflag:$0x1] =	stream.indirect.gather [hbm4b:s5+s14], $0x80, s22, s14, $0xb8;
	[tilespmem:$0x1FEA0] =	vst v63  }
0x25: {  	s26 =	simm.s32 $0x2710  }
0x26: {  	[spmem:s3] =	stream.indirect.scatter.add.f32 [tilespmem:s15], [sflag:$0x2], $0x80, s26, s14, $0xb8;
	[tilespmem:$0x1FEA0] =	vst v63  }
0x27: {  	_ =	swait.ge [sflag:s10], $0x2800  }
0x28: {  	[sflag:s10] =	ssyncset.done $0x0  }
0x29: {  	[sflag:s10] =	ssyncadd.s32 $0xFFFFD800  }
0x2a: {  	_ =	swait.ge [sflag:s17], $0x2800  }
0x2b: {  	[sflag:s17] =	ssyncset.done $0x0  }
0x2c: {  	s28 =	simm.s32 $0xF0;
	[sflag:s17] =	ssyncadd.s32 $0xFFFFD800  }
0x2d: {  	[tilespmem:s15], [sflag:$0x1] =	stream.indirect.gather [hbm4b:s5+s14], $0x80, s28, s14, $0xb8;
	[tilespmem:$0x1FEA0] =	vst v63  }
0x2e: {  	s29 =	simm.s32 $0x2760  }
0x2f: {  	[spmem:s3] =	stream.indirect.scatter.add.f32 [tilespmem:s16], [sflag:$0x2], $0x80, s29, s14, $0xb8;
	[tilespmem:$0x1FEA0] =	vst v63  }
0x30: {  	_ =	swait.ge [sflag:s10], $0x2800  }
0x31: {  	[sflag:s10] =	ssyncset.done $0x0  }
0x32: {  	[sflag:s10] =	ssyncadd.s32 $0xFFFFD800  }
0x33: {  	_ =	swait.ge [sflag:s17], $0x2800  }
0x34: {  	[sflag:s17] =	ssyncset.done $0x0  }
0x35: {  	s30 =	simm.s32 $0x140;
	[sflag:s17] =	ssyncadd.s32 $0xFFFFD800  }
0x36: {  	[tilespmem:s16], [sflag:$0x1] =	stream.indirect.gather [hbm4b:s5+s14], $0x80, s30, s14, $0xb8;
	[tilespmem:$0x1FEA0] =	vst v63  }
0x37: {  	s31 =	simm.s32 $0x27B0  }
0x38: {  	[spmem:s3] =	stream.indirect.scatter.add.f32 [tilespmem:s18], [sflag:$0x2], $0x80, s31, s14, $0xb8;
	[tilespmem:$0x1FEA0] =	vst v63  }
0x39: {  	_ =	swait.ge [sflag:s10], $0x2800  }
0x3a: {  	s22 =	simm.s32 $0x3C0;
	[sflag:s10] =	ssyncset.done $0x0  }
.LBB2_2:
0x3b: {  	p0 =	sne.s32 s22, $0x9600  }
0x3c: {  	[sflag:s10] =	ssyncadd.s32 $0xFFFFD800;
	s23 =	smov.u32 s22;
	s22 =	sadd.s32 $0x3C0, s22  }
0x3d: {  	_ = 	snop  }
0x3e: {  	_ =	swait.ge [sflag:s17], $0x2800  }
0x3f: {  	s23 =	sshra.s32 s23, $0x2;
	[sflag:s17] =	ssyncset.done $0x0  }
0x40: {  	s24 =	sadd.s32 $0xA0, s23;
	[sflag:s17] =	ssyncadd.s32 $0xFFFFD800  }
0x41: {  	[tilespmem:s18], [sflag:$0x1] =	stream.indirect.gather [hbm4b:s5+s14], $0x80, s24, s14, $0xb8;
	[tilespmem:$0x1FEA0] =	vst v63  }
0x42: {  	s24 =	sadd.s32 $0x2710, s23  }
0x43: {  	[spmem:s3] =	stream.indirect.scatter.add.f32 [tilespmem:s15], [sflag:$0x2], $0x80, s24, s14, $0xb8;
	[tilespmem:$0x1FEA0] =	vst v63  }
0x44: {  	_ =	swait.ge [sflag:s10], $0x2800  }
0x45: {  	[sflag:s10] =	ssyncset.done $0x0  }
0x46: {  	[sflag:s10] =	ssyncadd.s32 $0xFFFFD800  }
0x47: {  	_ =	swait.ge [sflag:s17], $0x2800  }
0x48: {  	[sflag:s17] =	ssyncset.done $0x0  }
0x49: {  	s24 =	sadd.s32 $0xF0, s23;
	[sflag:s17] =	ssyncadd.s32 $0xFFFFD800  }
0x4a: {  	[tilespmem:s15], [sflag:$0x1] =	stream.indirect.gather [hbm4b:s5+s14], $0x80, s24, s14, $0xb8;
	[tilespmem:$0x1FEA0] =	vst v63  }
0x4b: {  	s24 =	sadd.s32 $0x2760, s23  }
0x4c: {  	[spmem:s3] =	stream.indirect.scatter.add.f32 [tilespmem:s16], [sflag:$0x2], $0x80, s24, s14, $0xb8;
	[tilespmem:$0x1FEA0] =	vst v63  }
0x4d: {  	_ =	swait.ge [sflag:s10], $0x2800  }
0x4e: {  	[sflag:s10] =	ssyncset.done $0x0  }
0x4f: {  	[sflag:s10] =	ssyncadd.s32 $0xFFFFD800  }
0x50: {  	_ =	swait.ge [sflag:s17], $0x2800  }
0x51: {  	[sflag:s17] =	ssyncset.done $0x0  }
0x52: {  	s24 =	sadd.s32 $0x140, s23;
	[sflag:s17] =	ssyncadd.s32 $0xFFFFD800  }
0x53: {  	[tilespmem:s16], [sflag:$0x1] =	stream.indirect.gather [hbm4b:s5+s14], $0x80, s24, s14, $0xb8;
	[tilespmem:$0x1FEA0] =	vst v63  }
.Ltmp0:
0x54: {  	_ = 	snop;
	(pc) =	sbr.rel @p0 .LBB2_2-.Ltmp0, $4  }
0x55: {  	s23 =	sadd.s32 $0x27B0, s23  }
0x56: {  	[spmem:s3] =	stream.indirect.scatter.add.f32 [tilespmem:s18], [sflag:$0x2], $0x80, s23, s14, $0xb8;
	[tilespmem:$0x1FEA0] =	vst v63  }
0x57: {  	_ =	swait.ge [sflag:s10], $0x2800  }
0x58: {  	[sflag:s10] =	ssyncset.done $0x0  }
0x59: {  	[sflag:s10] =	ssyncadd.s32 $0xFFFFD800  }
0x5a: {  	_ =	swait.ge [sflag:s17], $0x2800  }
0x5b: {  	[sflag:s17] =	ssyncset.done $0x0  }
0x5c: {  	[sflag:s17] =	ssyncadd.s32 $0xFFFFD800  }
0x5d: {  	[spmem:s3] =	stream.indirect.scatter.add.f32 [tilespmem:s15], [sflag:$0x2], $0x80, s19, s14, $0xb8;
	[tilespmem:$0x1FEA0] =	vst v63  }
0x5e: {  	_ =	swait.ge [sflag:s10], $0x2800  }
0x5f: {  	[sflag:s10] =	ssyncset.done $0x0  }
0x60: {  	[sflag:s10] =	ssyncadd.s32 $0xFFFFD800  }
0x61: {  	_ =	swait.ge [sflag:s17], $0x2800  }
0x62: {  	[sflag:s17] =	ssyncset.done $0x0  }
0x63: {  	[sflag:s17] =	ssyncadd.s32 $0xFFFFD800  }
0x64: {  	[spmem:s3] =	stream.indirect.scatter.add.f32 [tilespmem:s16], [sflag:$0x2], $0x80, s20, s14, $0xb8;
	[tilespmem:$0x1FEA0] =	vst v63  }
0x65: {  	_ =	swait.ge [sflag:s10], $0x2800  }
0x66: {  	s21 =	sadd.s32 $0x1, s21;
	[sflag:s10] =	ssyncset.done $0x0  }
0x67: {  	p0 =	sne.s32 s21, s9;
	[sflag:s10] =	ssyncadd.s32 $0xFFFFD800  }
.Ltmp1:
0x68: {  	[bflag:$0x0] =	sbarrier.arrive $0xFFFF;
	(pc) =	sbr.rel @p0 .LBB2_1-.Ltmp1, $4  }
0x69: {  	[hbm:s8], [sflag:s12] =	dma.local [spmem:s13], $0x2710  }
0x6a: {  	_ =	swait.ge [sflag:s10], $0x2710  }
0x6b: {  	[sflag:s10] =	ssyncset.done $0x0  }
0x6c: {  	[sflag:s10] =	ssyncadd.s32 $0xFFFFD8F0  }
0x6d: {  	_ =	sfence.sel $0x180000  }
0x6e: {  	[bflag:$0x0] =	sbarrier.arrive $0xFFFF  }
0x6f: {  	p0 =	sne.s32 s1, $0x0;
	_ =	strace $0x9000004D  }
0x70: {  	s0 =	sadd.s32 @!p0 $0x100000, s0;
	[bflag:$0x2] =	sbarrier.arrive $0xFFFF  }
0x71: {  	[sflag:s0] =	ssyncadd.tile.s32 @!p0 $0x1;
	_ =	shalt  }
.Lfunc_end2:
_tile_overlayer_lowered:
.L_overlay_start_2:
0x72: {  	(tag) =	ssettag $0x2  }
0x73: {  	s0 =	rddreg [dreg:$0x0];
	s2 =	stileid.u32  }
0x74: {  	s1 =	rddreg [dreg:$0x1];
	p0 =	sne.s32 s2, $0x0  }
0x75: {  	s3 =	rddreg [dreg:$0x2];
	[bflag:$0x3] =	sbarrier.arrive $0xFFFF;
	s2 =	simm.s32 @!p0 $0x1C02  }
0x76: {  	[timem:s3], [sflag:s2] =	dma.local @!p0 [hbm:s0], s1  }
0x77: {  	s0 =	simm.s32 @!p0 $0x2  }
0x78: {  	_ =	swait.ge @!p0 [sflag:s0], s1  }
0x79: {  	s1 =	ssub.s32 @!p0 $0x0, s1;
	[sflag:s0] =	ssyncset.done @!p0 $0x0  }
0x7a: {  	[sflag:s0] =	ssyncadd.s32 @!p0 s1  }
0x7b: {  	[bflag:$0x3] =	sbarrier.arrive $0xFFFF  }
0x7c: {  	_ =	shalt  }

// kernel: kernel.8.cloned.1.call-start
scs
__scs_entry_jumppad:
0x0: {  	(pc) =	sbr.rel $0x88, $3  }
0x1: {  	(tag) =	ssettag $0x0;
	lr =	simm.s32 $0x1  }
0x2: {  	[smem:$0x3F91] =	sst lr;
	_ =	strace $0xD0000000  }
0x3: {  	_ = 	snop  }
0x4: {  	_ = 	snop  }
0x5: {  	_ = 	snop  }
0x6: {  	_ = 	snop  }
0x7: {  	_ = 	snop  }
__scs_overlays_trampoline_lowered:
0x8: {  	[smem:$0x3FA0] =	sst s0  }
0x9: {  	[smem:$0x3FA1] =	sst s1  }
0xa: {  	[smem:$0x3FA2] =	sst s2  }
0xb: {  	[smem:$0x3FA3] =	sst s3  }
0xc: {  	[smem:$0x3FA4] =	sst s4  }
0xd: {  	[smem:$0x3FA5] =	sst s5  }
0xe: {  	[smem:$0x3FA6] =	sst s6  }
0xf: {  	[smem:$0x3FA7] =	sst s7  }
0x10: {  	[smem:$0x3FA8] =	sst s8  }
0x11: {  	[smem:$0x3FA9] =	sst s9;
	s0 =	simm.s32 @!p0 $0x0  }
0x12: {  	s1 =	sld [smem:$0x3F8F];
	s0 =	simm.s32 @p0 $0x1  }
0x13: {  	[smem:$0x3FAA] =	sst s0;
	s0 =	simm.s32 @!p1 $0x0  }
0x14: {  	s2 =	sld [smem:$0x3F8E];
	s0 =	simm.s32 @p1 $0x1  }
0x15: {  	[smem:$0x3FAB] =	sst s0;
	s0 =	simm.s32 @!p2 $0x0  }
0x16: {  	s3 =	sld [smem:$0x3FDB];
	s0 =	simm.s32 @p2 $0x1  }
0x17: {  	s4 =	simm.s32 $0x1BF5;
	[smem:$0x3FAD] =	sst s0  }
0x18: {  	s0 =	sld [smem:$0x3F90];
	_ =	swait.ge [sflag:s4], $0x0  }
0x19: {  	s7 =	sld [smem:$0x3F91]  }
0x1a: {  	s8 =	sadd.s32 $0xFFFFE003, lr  }
0x1b: {  	s9 =	sadd.s32 $0xFFFFFEF7, lr;
	s5 =	simm.s32 $0xFFFFFFFF;
	p2 =	slt.u32 s8, $0xFFFFF086  }
0x1c: {  	p1 =	slt.u32 s9, $0xF7A;
	s5 =	simm.s32 @!p2 $0x0  }
0x1d: {  	s5 =	simm.s32 @p1 $0x1;
	p0 =	seq.s32 s7, s2  }
0x1e: {  	s7 =	smul.u32 @!p0 $0xF7A, s2;
	p2 =	seq.s32 @!p0 s5, $0x0  }
0x1f: {  	s9 =	smul.u32 $0xF7A, s1;
	s8 =	simm.s32 @!p0 $0x1BF5;
	p2 =	por !p2, p0  }
0x20: {  	[sflag:s8] =	ssyncset.s32 @!p0 $0xFFFFF086;
	s6 =	sadd.s32 @!p0 s3, s7;
	s7 =	simm.s32 @!p0 $0x108  }
0x21: {  	s3 =	sadd.s32 s3, s9;
	s6 =	sadd.s32 @!p0 $0x88, s6;
	s7 =	simm.s32 @p2 $0x1082  }
0x22: {  	[simem:s7], [sflag:s8] =	dma.local @!p0 [hbm:s6], $0xF7A  }
0x23: {  	s9 =	sor.u32 $0xD0000000, s2;
	s6 =	simm.s32 $0x108;
	_ =	swait.ge @!p0 [sflag:s8], $0x0  }
0x24: {  	s3 =	sadd.s32 $0x88, s3;
	s6 =	simm.s32 @!p1 $0x1082;
	[sflag:s4] =	ssyncset.s32 $0xFFFFF086  }
0x25: {  	[simem:s6], [sflag:s4] =	dma.local [hbm:s3], $0xF7A  }
0x26: {  	[smem:$0x3F91] =	sst s1;
	(tag) =	ssettag s2;
	_ =	strace s9  }
0x27: {  	s1 =	sld [smem:$0x3FA1]  }
0x28: {  	s2 =	sld [smem:$0x3FA2]  }
0x29: {  	s4 =	sld [smem:$0x3FA4]  }
0x2a: {  	p0 =	seq.s32 s5, $0x0;
	s5 =	sld [smem:$0x3FA5]  }
0x2b: {  	s6 =	sld [smem:$0x3FA6]  }
0x2c: {  	s7 =	sld [smem:$0x3FA7]  }
0x2d: {  	s3 =	simm.s32 $0x108;
	s8 =	sld [smem:$0x3FA8]  }
0x2e: {  	s3 =	simm.s32 @!p0 $0x1082;
	s9 =	sld [smem:$0x3FA9]  }
0x2f: {  	lr =	sadd.s32 s0, s3;
	s0 =	sld [smem:$0x3FA0]  }
0x30: {  	s3 =	sld [smem:$0x3FA3]  }
0x31: {  	[smem:$0x3FAC] =	sst s10  }
0x32: {  	s10 =	sld [smem:$0x3FAA];
	_ =	sdelay $0x3  }
0x33: {  	p0 =	seq.s32 s10, $0x1;
	s10 =	sld [smem:$0x3FAC];
	_ =	sdelay $0x3  }
0x34: {  	[smem:$0x3FAC] =	sst s10  }
0x35: {  	s10 =	sld [smem:$0x3FAB];
	_ =	sdelay $0x3  }
0x36: {  	p1 =	seq.s32 s10, $0x1;
	s10 =	sld [smem:$0x3FAC];
	_ =	sdelay $0x3  }
0x37: {  	[smem:$0x3FAC] =	sst s10  }
0x38: {  	s10 =	sld [smem:$0x3FAD]  }
0x39: {  	_ = 	snop;
	(pc) =	sbr.ind lr, $3  }
0x3a: {  	_ = 	snop  }
0x3b: {  	_ = 	snop  }
0x3c: {  	p2 =	seq.s32 s10, $0x1;
	s10 =	sld [smem:$0x3FAC]  }
0x3d: {  	_ =	shalt  }
0x3e: {  	_ =	shalt  }
0x3f: {  	_ =	shalt  }
0x40: {  	_ =	shalt  }
0x41: {  	_ =	shalt  }
0x42: {  	_ =	shalt  }
0x43: {  	_ =	shalt  }
0x44: {  	_ =	shalt  }
0x45: {  	_ =	shalt  }
0x46: {  	_ =	shalt  }
0x47: {  	_ =	shalt  }
0x48: {  	_ =	shalt  }
0x49: {  	_ =	shalt  }
0x4a: {  	_ =	shalt  }
0x4b: {  	_ =	shalt  }
0x4c: {  	_ =	shalt  }
0x4d: {  	_ =	shalt  }
0x4e: {  	_ =	shalt  }
0x4f: {  	_ =	shalt  }
0x50: {  	_ =	shalt  }
0x51: {  	_ =	shalt  }
0x52: {  	_ =	shalt  }
0x53: {  	_ =	shalt  }
0x54: {  	_ =	shalt  }
0x55: {  	_ =	shalt  }
0x56: {  	_ =	shalt  }
0x57: {  	_ =	shalt  }
0x58: {  	_ =	shalt  }
0x59: {  	_ =	shalt  }
0x5a: {  	_ =	shalt  }
0x5b: {  	_ =	shalt  }
0x5c: {  	_ =	shalt  }
0x5d: {  	_ =	shalt  }
0x5e: {  	_ =	shalt  }
0x5f: {  	_ =	shalt  }
0x60: {  	_ =	shalt  }
0x61: {  	_ =	shalt  }
0x62: {  	_ =	shalt  }
0x63: {  	_ =	shalt  }
0x64: {  	_ =	shalt  }
0x65: {  	_ =	shalt  }
0x66: {  	_ =	shalt  }
0x67: {  	_ =	shalt  }
0x68: {  	_ =	shalt  }
0x69: {  	_ =	shalt  }
0x6a: {  	_ =	shalt  }
0x6b: {  	_ =	shalt  }
0x6c: {  	_ =	shalt  }
0x6d: {  	_ =	shalt  }
0x6e: {  	_ =	shalt  }
0x6f: {  	_ =	shalt  }
0x70: {  	_ =	shalt  }
0x71: {  	_ =	shalt  }
0x72: {  	_ =	shalt  }
0x73: {  	_ =	shalt  }
0x74: {  	_ =	shalt  }
0x75: {  	_ =	shalt  }
0x76: {  	_ =	shalt  }
0x77: {  	_ =	shalt  }
0x78: {  	_ =	shalt  }
0x79: {  	_ =	shalt  }
0x7a: {  	_ =	shalt  }
0x7b: {  	_ =	shalt  }
0x7c: {  	_ =	shalt  }
0x7d: {  	_ =	shalt  }
0x7e: {  	_ =	shalt  }
0x7f: {  	_ =	shalt  }
0x80: {  	_ =	shalt  }
0x81: {  	_ =	shalt  }
0x82: {  	_ =	shalt  }
0x83: {  	_ =	shalt  }
0x84: {  	_ =	shalt  }
0x85: {  	_ =	shalt  }
0x86: {  	_ =	shalt  }
0x87: {  	_ =	shalt  }
.Lfunc_end0:
.L_simem_size_0:
called_computation_lowered:
.L_overlay_start_0:
0x88: {  	s2 =	sld [smem:$0x3FD9]  }
0x89: {  	s3 =	sld [smem:$0x3FFE];
	_ =	sdelay $0x1  }
0x8a: {  	s1 =	srdreg.scid  }
0x8b: {  	s0 =	sand.u32 $0x1, s1  }
0x8c: {  	s17 =	sshll.u32 s0, $0xA;
	s2 =	sadd.s32 s3, s2  }
0x8d: {  	s2 =	sadd.s32 s2, s17  }
0x8e: {  	[smem:$0x3FB8] =	sst s2  }
0x8f: {  	_ = 	snop  }
0x90: {  	s2 =	sld [smem:$0x3FD0];
	(tm) =	ssettm $0x1  }
0x91: {  	s18 =	sld [smem:$0x3FFB];
	_ =	sdelay $0x3  }
0x92: {  	_ =	strace s18  }
0x93: {  	s3 =	sld [smem:$0x3FFC];
	_ =	sdelay $0x3  }
0x94: {  	_ =	strace s3  }
0x95: {  	s3 =	sld [smem:$0x3FFD];
	_ =	sdelay $0x3  }
0x96: {  	_ =	strace s3  }
0x97: {  	_ =	strace $0x8FFFFFFF  }
0x98: {  	s19 =	sld [smem:$0x3FDB];
	_ =	sdelay $0x1  }
0x99: {  	s4 =	simm.s32 $_scs_section_size  }
0x9a: {  	s5 =	simm.s32 $_size__tile_overlayer_lowered;
	s6 =	simm.s32 $_tile_overlayer_lowered  }
0x9b: {  	s22 =	simm.s32 $0x1BFF;
	s21 =	sshll.u32 s6, $0x1;
	s3 =	sadd.s32 s4, s19  }
0x9c: {  	s7 =	simm.s32 $0x0;
	s20 =	sshll.u32 s5, $0x1;
	s5 =	sadd.s32 s21, s3  }
0x9d: {  	[timem:s7], [sflag:s22] =	dma.local [hbm:s5], s20  }
0x9e: {  	_ =	swait.ge [sflag:s22], s20  }
0x9f: {  	s4 =	ssub.s32 $0x0, s20;
	[sflag:s22] =	ssyncset.done $0x0  }
0xa0: {  	[sflag:s22] =	ssyncadd.s32 s4;
	_ =	sdelay $0x1  }
0xa1: {  	s23 =	simm.s32 $0x1B8B  }
0xa2: {  	_ =	swait.ge [sflag:s23], $0x1  }
0xa3: {  	[sflag:s23] =	ssyncset.done $0x0  }
0xa4: {  	s25 =	simm.s32 $0x1B8E;
	s24 =	sld [smem:$0x3FFE];
	[sflag:s23] =	ssyncadd.s32 $0xFFFFFFFF  }
0xa5: {  	s26 =	simm.s32 $execute0_lowered;
	[smem:$0x3FD2] =	sst s25  }
0xa6: {  	s5 =	sshll.u32 s26, $0x1;
	_ =	strace $0x80000046;
	[dreg:$0x1] =	wrdreg $0xFFFFFFFF  }
0xa7: {  	s28 =	simm.s32 $_size_execute0_lowered;
	s3 =	sadd.s32 s3, s5;
	[dreg:$0x0] =	wrdreg $0x0  }
0xa8: {  	s5 =	sshll.u32 s28, $0x1;
	[dreg:$0x2] =	wrdreg s3  }
0xa9: {  	[dreg:$0x3] =	wrdreg s5  }
0xaa: {  	[dreg:$0x4] =	wrdreg $0xC0  }
0xab: {  	_ =	task [dreg:s7], $0x5FFFF  }
0xac: {  	[dreg:$0x1] =	wrdreg $0xFFFFFFFF  }
0xad: {  	[dreg:$0x0] =	wrdreg $0x60  }
0xae: {  	[dreg:$0x2] =	wrdreg s24  }
0xaf: {  	[dreg:$0x3] =	wrdreg s2  }
0xb0: {  	[dreg:$0x4] =	wrdreg $0x2C100  }
0xb1: {  	[dreg:$0x5] =	wrdreg $0x9  }
0xb2: {  	_ =	task.clear_ibuf [dreg:s7], $0x6FFFF;
	_ =	strace $0x90000046  }
0xb3: {  	s29 =	simm.s32 $0x9;
	_ =	strace $0x80000048  }
0xb4: {  	_ =	swait.ge [sflag:s29], $0x1  }
0xb5: {  	[sflag:s29] =	ssyncadd.s32 $0xFFFFFFFF  }
0xb6: {  	_ =	strace $0x90000048  }
0xb7: {  	_ =	sfence  }
0xb8: {  	s30 =	sld [smem:$0x0];
	_ =	sdelay $0x2  }
0xb9: {  	s31 =	sshll.u32 s1, $0xD;
	s1 =	sshrl.u32 s1, $0x2  }
0xba: {  	s3 =	sand.u32 $0x4000, s31;
	s1 =	sadd.s32 s1, s30  }
0xbb: {  	s0 =	sor.u32 s3, s0;
	s1 =	sshll.u32 s1, $0x11  }
0xbc: {  	s0 =	sor.u32 s1, s0  }
0xbd: {  	s0 =	sadd.s32 $0x8F2B, s0  }
0xbe: {  	[sflag:s0] =	ssyncadd.remote.s32 $0x1  }
0xbf: {  	_ =	sfence.sel $0xFFFF  }
0xc0: {  	[dreg:$0x0] =	wrdreg $0xFFFFFFFF;
	(pc) =	sbr.abs _section_cstart, $3  }
0xc1: {  	[dreg:$0x1] =	wrdreg $0xFFFFFFFF  }
0xc2: {  	_ =	task.clear_ibuf [dreg:s7], $0x2FFFF;
	_ =	strace $0x9FFFFFFF  }
0xc3: {  	(tm) =	ssettm $0x7FFFFFFF  }
tec
execute0_lowered:
.L_overlay_start_1:
0x0: {  	(tag) =	ssettag $0x1  }
0x1: {  	s6 =	rddreg [dreg:$0x0]  }
0x2: {  	s2 =	rddreg [dreg:$0x1]  }
0x3: {  	s3 =	rddreg [dreg:$0x2]  }
0x4: {  	s0 =	rddreg [dreg:$0x3]  }
0x5: {  	s4 =	srdreg.scid;
	s1 =	stileid.u32;
	s13 =	simm.s32 $0x50  }
0x6: {  	s14 =	simm.s32 $0x0;
	s5 =	sand.u32 $0x1, s4;
	s7 =	sshll.u32 s1, $0x1  }
0x7: {  	s8 =	smul.u32 $0x2710, s1;
	s4 =	simm.s32 $0x0;
	s11 =	sshll.u32 s1, $0x6  }
0x8: {  	s7 =	sor.u32 s5, s7;
	s9 =	smul.u32 $0x27100, s5;
	[smem:$0x7FF] =	sst s4  }
0x9: {  	s10 =	ssub.s32 $0x2, s5;
	s5 =	sadd.s32 $0x17A00, s6;
	s11 =	sor.u32 $0x1C01, s11  }
0xa: {  	s7 =	smul.u32 $0x4E2, s7;
	_ =	strace $0x80000047;
	s31 =	sshrl.u32 s10, $0x1  }
0xb: {  	s12 =	sadd.s32 s8, s3;
	s9 =	sadd.s32 s8, s9;
	s10 =	ssub.s32 s10, s31  }
0xc: {  	s12 =	sshrl.u32 s12, $0x3;
	s7 =	sadd.s32 s7, s6;
	s9 =	sshrl.u32 s9, $0x3  }
0xd: {  	s8 =	smax.u32 s10, $0x1;
	s10 =	simm.s32 $0x2710;
	s9 =	sadd.s32 s9, s6  }
0xe: {  	s6 =	sadd.s32 $0xDC00, s7;
	s7 =	sadd.s32 $0x17C00, s9;
	s9 =	simm.s32 $0x1  }
.LBB2_1:
0xf: {  	[tilespmem:s4], [sflag:$0x1] =	stream.linear.gather [hbm4b:s6+s4], $0x2710, $0x38;
	[tilespmem:$0x5320] =	vst v63  }
0x10: {  	_ =	swait.ge [sflag:s9], $0x2710  }
0x11: {  	[sflag:s9] =	ssyncset.done $0x0  }
0x12: {  	[sflag:s9] =	ssyncadd.s32 $0xFFFFD8F0  }
0x13: {  	[tilespmem:s10], [sflag:$0x1] =	stream.linear.gather [hbm4b:s5+s4], $0x500, $0x38;
	[tilespmem:$0x5320] =	vst v63  }
0x14: {  	_ =	swait.ge [sflag:s9], $0x500  }
0x15: {  	[sflag:s9] =	ssyncset.done $0x0  }
0x16: {  	[sflag:s9] =	ssyncadd.s32 $0xFFFFFB00  }
0x17: {  	[spmem:s12], [sflag:s11] =	dma.local [hbm:s2], $0x4E2  }
0x18: {  	_ =	swait.ge [sflag:s9], $0x4E2  }
0x19: {  	[sflag:s9] =	ssyncset.done $0x0  }
0x1a: {  	[sflag:s9] =	ssyncadd.s32 $0xFFFFFB1E  }
0x1b: {  	s15 =	simm.s32 $0x0;
	[bflag:$0x0] =	sbarrier.arrive $0xFFFF  }
0x1c: {  	[spmem:s3] =	stream.indirect.scatter.add.f32 [tilespmem:s10], [sflag:$0x1], $0x10, s15, s13, $0xb8;
	[tilespmem:$0x5320] =	vst v63  }
0x1d: {  	_ =	swait.ge [sflag:s9], $0x500  }
0x1e: {  	s15 =	simm.s32 $0x140;
	[sflag:s9] =	ssyncset.done $0x0  }
.LBB2_2:
0x1f: {  	s16 =	sshra.s32 s15, $0x2;
	[sflag:s9] =	ssyncadd.s32 $0xFFFFFB00;
	p0 =	sne.s32 s15, $0x9B00  }
0x20: {  	[spmem:s3] =	stream.indirect.scatter.add.f32 [tilespmem:s10], [sflag:$0x1], $0x10, s16, s13, $0xb8;
	[tilespmem:$0x5320] =	vst v63  }
.Ltmp0:
0x21: {  	_ = 	snop;
	(pc) =	sbr.rel @p0 .LBB2_2-.Ltmp0, $4  }
0x22: {  	_ = 	snop  }
0x23: {  	s15 =	sadd.s32 $0x140, s15  }
0x24: {  	_ =	swait.ge [sflag:s9], $0x500  }
0x25: {  	[sflag:s9] =	ssyncset.done $0x0  }
0x26: {  	s14 =	sadd.s32 $0x1, s14  }
0x27: {  	[sflag:s9] =	ssyncadd.s32 $0xFFFFFB00;
	p0 =	sne.s32 s14, s8  }
.Ltmp1:
0x28: {  	[bflag:$0x0] =	sbarrier.arrive $0xFFFF;
	(pc) =	sbr.rel @p0 .LBB2_1-.Ltmp1, $4  }
0x29: {  	[hbm:s7], [sflag:s11] =	dma.local [spmem:s12], $0x4E2  }
0x2a: {  	_ =	swait.ge [sflag:s9], $0x4E2  }
0x2b: {  	[sflag:s9] =	ssyncset.done $0x0  }
0x2c: {  	[sflag:s9] =	ssyncadd.s32 $0xFFFFFB1E  }
0x2d: {  	_ =	sfence.sel $0x180000  }
0x2e: {  	[bflag:$0x0] =	sbarrier.arrive $0xFFFF  }
0x2f: {  	p0 =	sne.s32 s1, $0x0;
	_ =	strace $0x90000047  }
0x30: {  	s0 =	sadd.s32 @!p0 $0x100000, s0;
	[bflag:$0x2] =	sbarrier.arrive $0xFFFF  }
0x31: {  	[sflag:s0] =	ssyncadd.tile.s32 @!p0 $0x1;
	_ =	shalt  }
.Lfunc_end2:
_tile_overlayer_lowered:
.L_overlay_start_2:
0x32: {  	(tag) =	ssettag $0x2  }
0x33: {  	s0 =	rddreg [dreg:$0x0];
	s2 =	stileid.u32  }
0x34: {  	s1 =	rddreg [dreg:$0x1];
	p0 =	sne.s32 s2, $0x0  }
0x35: {  	s3 =	rddreg [dreg:$0x2];
	[bflag:$0x3] =	sbarrier.arrive $0xFFFF;
	s2 =	simm.s32 @!p0 $0x1C01  }
0x36: {  	[timem:s3], [sflag:s2] =	dma.local @!p0 [hbm:s0], s1  }
0x37: {  	s0 =	simm.s32 @!p0 $0x1  }
0x38: {  	_ =	swait.ge @!p0 [sflag:s0], s1  }
0x39: {  	s1 =	ssub.s32 @!p0 $0x0, s1;
	[sflag:s0] =	ssyncset.done @!p0 $0x0  }
0x3a: {  	[sflag:s0] =	ssyncadd.s32 @!p0 s1  }
0x3b: {  	[bflag:$0x3] =	sbarrier.arrive $0xFFFF  }
0x3c: {  	_ =	shalt  }

</sc_bundles>
